<compile_context>
chip_gen: v7x
topology: tpu7x:2x2x1
jax: 0.10.2.dev20260603
libtpu: 0.0.44.dev20260713+nightly
codegen_flags: <defaults>
</compile_context>

<pallas_src>
import functools
import math

import jax
import jax.numpy as jnp
from jax import lax
from jax.experimental import pallas as pl
from jax.experimental.pallas import tpu as pltpu
from jax.experimental.pallas import tpu_sc as plsc

D_MODEL = 1024
SCALE = math.sqrt(D_MODEL)
NUM_CORES = 2
NUM_SUBCORES = 16
NW = NUM_CORES * NUM_SUBCORES
LANES = 16
CHUNK = 8
NBUF = 8
SW = 2


@functools.lru_cache(maxsize=None)
def _make_sc_kernel(BS, SEQ):
    B = BS * SEQ
    assert B % (8 * NW) == 0
    bpw = B // NW
    assert SEQ % bpw == 0
    wps = SEQ // bpw
    nch = bpw // CHUNK
    assert nch % NBUF == 0 and nch // NBUF >= 2
    assert 1 <= SW <= NBUF - 1
    ngrp = nch // NBUF
    mesh = plsc.VectorSubcoreMesh(core_axis_name="c", subcore_axis_name="s")

    @functools.partial(
        pl.kernel,
        mesh=mesh,
        out_type=jax.ShapeDtypeStruct((BS, SEQ, D_MODEL), jnp.float32),
        scratch_types=[
            pltpu.VMEM((bpw,), jnp.int32),
        ]
        + [pltpu.VMEM((CHUNK, D_MODEL), jnp.float32) for _ in range(NBUF)]
        + [pltpu.SemaphoreType.DMA for _ in range(2 * NBUF)],
    )
    def emb_kernel(table_hbm, idx_hbm, out_hbm, idx_v, *rest):
        bufs = rest[:NBUF]
        gsem = rest[NBUF : 2 * NBUF]
        ssem = rest[2 * NBUF :]
        wid = lax.axis_index("s") * NUM_CORES + lax.axis_index("c")
        seq_i = wid // wps
        col0 = (wid % wps) * bpw
        pltpu.sync_copy(idx_hbm.at[seq_i, pl.ds(col0, bpw)], idx_v)

        def gather_copy(ci, b):
            return pltpu.make_async_copy(
                table_hbm.at[idx_v.at[pl.ds(ci * CHUNK, CHUNK)]], bufs[b], gsem[b]
            )

        def store_copy(ci, b):
            return pltpu.make_async_copy(
                bufs[b], out_hbm.at[seq_i, pl.ds(col0 + ci * CHUNK, CHUNK)], ssem[b]
            )

        def scale(b):
            @plsc.parallel_loop(0, CHUNK * D_MODEL, step=LANES, unroll=8)
            def _(i):
                r = i >> 10
                o = pl.multiple_of(i & (D_MODEL - 1), LANES)
                sl = pl.ds(o, LANES)
                bufs[b][r, sl] = bufs[b][r, sl] * SCALE

        for b in range(NBUF):
            gather_copy(b, b).start()

        def group(g, c):
            for b in range(NBUF):
                ci = g * NBUF + b
                bp = (b + NBUF - SW) % NBUF
                gather_copy(ci, b).wait()
                scale(b)
                store_copy(ci, b).start()

                @pl.when(ci >= SW)
                def _():
                    store_copy(ci - SW, bp).wait()

                @pl.when(jnp.logical_and(ci >= SW, ci < nch - NBUF + SW))
                def _():
                    gather_copy(ci + NBUF - SW, bp).start()
            return c

        lax.fori_loop(0, ngrp, group, 0)

        for k in range(SW):
            ci = nch - SW + k
            store_copy(ci, ci % NBUF).wait()

    return emb_kernel


def kernel(x, embedding):
    idx = x.astype(jnp.int32)
    return _make_sc_kernel(x.shape[0], x.shape[1])(embedding, idx)

# --- scband reference (transcript-rebuilt; emitter-appended) ---
"""Pipeline reference for scband-input-embeddings-57226144252494 (READ-ONLY COPY).

The authoritative reference and input builder live on the scoring server;
editing this copy changes nothing except your own understanding.
"""

import math
import jax, jax.numpy as jnp
import numpy as np

D_MODEL = 1024
VOCAB_SIZE = 100000

def setup_inputs(seed: int = 0) -> dict:
    key = jax.random.key(seed)
    k_idx, k_emb = jax.random.split(key)
    x = jax.random.randint(k_idx, (4, 4096), 0, VOCAB_SIZE, dtype=jnp.int64 if jax.config.jax_enable_x64 else jnp.int32)
    embedding = jax.random.normal(k_emb, (VOCAB_SIZE, D_MODEL), dtype=jnp.float32)
    return {"x": x, "embedding": embedding}

def reference(x, embedding):
    # nn.Embedding lookup followed by scale by sqrt(d_model)
    emb = jnp.take(embedding, x, axis=0)  # (bs, seq_len, d_model)
    return emb * math.sqrt(D_MODEL)

if __name__ == "__main__":
    import jax
    _d = setup_inputs()
    print(jax.jit(kernel)(*tuple(_d.values())))

</pallas_src>

<mosaic_0001>
#map = affine_map<(d0, d1) -> (0, 0)>
#map1 = affine_map<(d0, d1) -> (0, 0, 0)>
module attributes {stable_mosaic.version = 14 : i64} {
  func.func @emb_kernel(%arg0: i32, %arg1: i32, %arg2: memref<100000x1024xf32, #tpu.memory_space<hbm>>, %arg3: memref<4x4096xi32, #tpu.memory_space<hbm>>, %arg4: memref<4x4096x1024xf32, #tpu.memory_space<hbm>>, %arg5: memref<512xi32, #tpu.memory_space<vmem>>, %arg6: memref<8x1024xf32, #tpu.memory_space<vmem>>, %arg7: memref<8x1024xf32, #tpu.memory_space<vmem>>, %arg8: memref<8x1024xf32, #tpu.memory_space<vmem>>, %arg9: memref<8x1024xf32, #tpu.memory_space<vmem>>, %arg10: memref<8x1024xf32, #tpu.memory_space<vmem>>, %arg11: memref<8x1024xf32, #tpu.memory_space<vmem>>, %arg12: memref<8x1024xf32, #tpu.memory_space<vmem>>, %arg13: memref<8x1024xf32, #tpu.memory_space<vmem>>, %arg14: memref<!tpu.dma_semaphore, #tpu.memory_space<semaphore_mem>>, %arg15: memref<!tpu.dma_semaphore, #tpu.memory_space<semaphore_mem>>, %arg16: memref<!tpu.dma_semaphore, #tpu.memory_space<semaphore_mem>>, %arg17: memref<!tpu.dma_semaphore, #tpu.memory_space<semaphore_mem>>, %arg18: memref<!tpu.dma_semaphore, #tpu.memory_space<semaphore_mem>>, %arg19: memref<!tpu.dma_semaphore, #tpu.memory_space<semaphore_mem>>, %arg20: memref<!tpu.dma_semaphore, #tpu.memory_space<semaphore_mem>>, %arg21: memref<!tpu.dma_semaphore, #tpu.memory_space<semaphore_mem>>, %arg22: memref<!tpu.dma_semaphore, #tpu.memory_space<semaphore_mem>>, %arg23: memref<!tpu.dma_semaphore, #tpu.memory_space<semaphore_mem>>, %arg24: memref<!tpu.dma_semaphore, #tpu.memory_space<semaphore_mem>>, %arg25: memref<!tpu.dma_semaphore, #tpu.memory_space<semaphore_mem>>, %arg26: memref<!tpu.dma_semaphore, #tpu.memory_space<semaphore_mem>>, %arg27: memref<!tpu.dma_semaphore, #tpu.memory_space<semaphore_mem>>, %arg28: memref<!tpu.dma_semaphore, #tpu.memory_space<semaphore_mem>>, %arg29: memref<!tpu.dma_semaphore, #tpu.memory_space<semaphore_mem>>) attributes {dimension_semantics = [#tpu.dimension_semantics<core_parallel>, #tpu.dimension_semantics<subcore_parallel>], iteration_bounds = array<i64: 2, 16>, scalar_prefetch = 0 : i64, scratch_operands = 25 : i64, tpu.core_type = #tpu.core_type<sc_vector_subcore>, window_params = [{transform_indices = #map}, {transform_indices = #map}, {transform_indices = #map1}]} {
    %mul3A = arith.constant 2 : i32
    %mul3A_0 = arith.muli %arg1, %mul3A : i32
    %add3A = arith.addi %mul3A_0, %arg0 : i32
    %jit3A = arith.constant 8 : i32
    %div3A = arith.divsi %add3A, %jit3A : i32
    %sign3A = arith.constant 0 : i32
    %sign3A_1 = arith.cmpi sgt, %add3A, %sign3A : i32
    %sign3A_2 = arith.extui %sign3A_1 : i1 to i32
    %sign3A_3 = arith.constant 0 : i32
    %sign3A_4 = arith.cmpi slt, %add3A, %sign3A_3 : i32
    %sign3A_5 = arith.extui %sign3A_4 : i1 to i32
    %sign3A_6 = arith.subi %sign3A_2, %sign3A_5 : i32
    %sign3A_7 = arith.constant 0 : i32
    %sign3A_8 = arith.cmpi sgt, %jit3A, %sign3A_7 : i32
    %sign3A_9 = arith.extui %sign3A_8 : i1 to i32
    %sign3A_10 = arith.constant 0 : i32
    %sign3A_11 = arith.cmpi slt, %jit3A, %sign3A_10 : i32
    %sign3A_12 = arith.extui %sign3A_11 : i1 to i32
    %sign3A_13 = arith.subi %sign3A_9, %sign3A_12 : i32
    %ne3A = arith.cmpi ne, %sign3A_6, %sign3A_13 : i32
    %rem3A = arith.remsi %add3A, %jit3A : i32
    %ne3A_14 = arith.constant 0 : i32
    %ne3A_15 = arith.cmpi ne, %rem3A, %ne3A_14 : i32
    %and3A = arith.andi %ne3A, %ne3A_15 : i1
    %sub3A = arith.constant 1 : i32
    %sub3A_16 = arith.subi %div3A, %sub3A : i32
    %select_n3A = arith.select %and3A, %sub3A_16, %div3A : i32
    %jit3A_17 = arith.constant 8 : i32
    %eq3A = arith.constant 0 : i32
    %eq3A_18 = arith.cmpi eq, %jit3A_17, %eq3A : i32
    %jit3A_19 = arith.constant 1 : i32
    %select_n3A_20 = arith.select %eq3A_18, %jit3A_19, %jit3A_17 : i32
    %rem3A_21 = arith.remsi %add3A, %select_n3A_20 : i32
    %ne3A_22 = arith.constant 0 : i32
    %ne3A_23 = arith.cmpi ne, %rem3A_21, %ne3A_22 : i32
    %lt3A = arith.constant 0 : i32
    %lt3A_24 = arith.cmpi slt, %rem3A_21, %lt3A : i32
    %lt3A_25 = arith.constant 0 : i32
    %lt3A_26 = arith.cmpi slt, %select_n3A_20, %lt3A_25 : i32
    %ne3A_27 = arith.xori %lt3A_24, %lt3A_26 : i1
    %and3A_28 = arith.andi %ne3A_27, %ne3A_23 : i1
    %add3A_29 = arith.addi %rem3A_21, %select_n3A_20 : i32
    %select_n3A_30 = arith.select %and3A_28, %add3A_29, %rem3A_21 : i32
    %mul3A_31 = arith.constant 512 : i32
    %mul3A_32 = arith.muli %select_n3A_30, %mul3A_31 : i32
    "tpu.region"() ({
      %run_scoped3A = tpu.sem_alloc : memref<!tpu.dma_semaphore, #tpu.memory_space<semaphore_mem>>
      %dma_start3A_92 = tpu.memref_slice %arg3[%select_n3A, %mul3A_32] : memref<4x4096xi32, #tpu.memory_space<hbm>> -> memref<1x512xi32, #tpu.memory_space<hbm>>
      %dma_start3A_93 = tpu.memref_squeeze %dma_start3A_92 : memref<1x512xi32, #tpu.memory_space<hbm>> -> memref<512xi32, #tpu.memory_space<hbm>>
      %dma_start3A_94 = tpu.memref_slice %arg3[%select_n3A, %mul3A_32] : memref<4x4096xi32, #tpu.memory_space<hbm>> -> memref<1x512xi32, #tpu.memory_space<hbm>>
      %dma_start3A_95 = tpu.memref_squeeze %dma_start3A_94 : memref<1x512xi32, #tpu.memory_space<hbm>> -> memref<512xi32, #tpu.memory_space<hbm>>
      tpu.enqueue_dma source(%dma_start3A_95 : memref<512xi32, #tpu.memory_space<hbm>>) target(%arg5 : memref<512xi32, #tpu.memory_space<vmem>>) target_semaphore(%run_scoped3A : memref<!tpu.dma_semaphore, #tpu.memory_space<semaphore_mem>>)
      %dma_wait3A_96 = tpu.memref_slice %arg3[%select_n3A, %mul3A_32] : memref<4x4096xi32, #tpu.memory_space<hbm>> -> memref<1x512xi32, #tpu.memory_space<hbm>>
      %dma_wait3A_97 = tpu.memref_squeeze %dma_wait3A_96 : memref<1x512xi32, #tpu.memory_space<hbm>> -> memref<512xi32, #tpu.memory_space<hbm>>
      %dma_wait3A_98 = tpu.memref_slice %arg3[%select_n3A, %mul3A_32] : memref<4x4096xi32, #tpu.memory_space<hbm>> -> memref<1x512xi32, #tpu.memory_space<hbm>>
      %dma_wait3A_99 = tpu.memref_squeeze %dma_wait3A_98 : memref<1x512xi32, #tpu.memory_space<hbm>> -> memref<512xi32, #tpu.memory_space<hbm>>
      tpu.wait_dma2 semaphore(%run_scoped3A : memref<!tpu.dma_semaphore, #tpu.memory_space<semaphore_mem>>) src(%dma_wait3A_99 : memref<512xi32, #tpu.memory_space<hbm>>) dst(%arg5 : memref<512xi32, #tpu.memory_space<vmem>>)
      tpu.yield
    }) : () -> ()
    %dma_start3A = arith.constant 0 : i32
    %dma_start3A_33 = tpu.memref_slice %arg5[%dma_start3A] : memref<512xi32, #tpu.memory_space<vmem>> -> memref<8xi32, #tpu.memory_space<vmem>>
    %dma_start3A_34 = arith.constant 0 : i32
    %dma_start3A_35 = arith.constant 0 : i32
    %dma_start3A_36 = tpu.memref_slice %arg2[%dma_start3A_34, %dma_start3A_35] : memref<100000x1024xf32, #tpu.memory_space<hbm>> -> memref<100000x1024xf32, #tpu.memory_space<hbm>>
    tpu.enqueue_indirect_dma source(%dma_start3A_36 : memref<100000x1024xf32, #tpu.memory_space<hbm>>) target(%arg6 : memref<8x1024xf32, #tpu.memory_space<vmem>>) offsets(%dma_start3A_33 : memref<8xi32, #tpu.memory_space<vmem>>) semaphore(%arg14 : memref<!tpu.dma_semaphore, #tpu.memory_space<semaphore_mem>>)
    %dma_start3A_37 = arith.constant 8 : i32
    %dma_start3A_38 = tpu.memref_slice %arg5[%dma_start3A_37] : memref<512xi32, #tpu.memory_space<vmem>> -> memref<8xi32, #tpu.memory_space<vmem>>
    %dma_start3A_39 = arith.constant 0 : i32
    %dma_start3A_40 = arith.constant 0 : i32
    %dma_start3A_41 = tpu.memref_slice %arg2[%dma_start3A_39, %dma_start3A_40] : memref<100000x1024xf32, #tpu.memory_space<hbm>> -> memref<100000x1024xf32, #tpu.memory_space<hbm>>
    tpu.enqueue_indirect_dma source(%dma_start3A_41 : memref<100000x1024xf32, #tpu.memory_space<hbm>>) target(%arg7 : memref<8x1024xf32, #tpu.memory_space<vmem>>) offsets(%dma_start3A_38 : memref<8xi32, #tpu.memory_space<vmem>>) semaphore(%arg15 : memref<!tpu.dma_semaphore, #tpu.memory_space<semaphore_mem>>)
    %dma_start3A_42 = arith.constant 16 : i32
    %dma_start3A_43 = tpu.memref_slice %arg5[%dma_start3A_42] : memref<512xi32, #tpu.memory_space<vmem>> -> memref<8xi32, #tpu.memory_space<vmem>>
    %dma_start3A_44 = arith.constant 0 : i32
    %dma_start3A_45 = arith.constant 0 : i32
    %dma_start3A_46 = tpu.memref_slice %arg2[%dma_start3A_44, %dma_start3A_45] : memref<100000x1024xf32, #tpu.memory_space<hbm>> -> memref<100000x1024xf32, #tpu.memory_space<hbm>>
    tpu.enqueue_indirect_dma source(%dma_start3A_46 : memref<100000x1024xf32, #tpu.memory_space<hbm>>) target(%arg8 : memref<8x1024xf32, #tpu.memory_space<vmem>>) offsets(%dma_start3A_43 : memref<8xi32, #tpu.memory_space<vmem>>) semaphore(%arg16 : memref<!tpu.dma_semaphore, #tpu.memory_space<semaphore_mem>>)
    %dma_start3A_47 = arith.constant 24 : i32
    %dma_start3A_48 = tpu.memref_slice %arg5[%dma_start3A_47] : memref<512xi32, #tpu.memory_space<vmem>> -> memref<8xi32, #tpu.memory_space<vmem>>
    %dma_start3A_49 = arith.constant 0 : i32
    %dma_start3A_50 = arith.constant 0 : i32
    %dma_start3A_51 = tpu.memref_slice %arg2[%dma_start3A_49, %dma_start3A_50] : memref<100000x1024xf32, #tpu.memory_space<hbm>> -> memref<100000x1024xf32, #tpu.memory_space<hbm>>
    tpu.enqueue_indirect_dma source(%dma_start3A_51 : memref<100000x1024xf32, #tpu.memory_space<hbm>>) target(%arg9 : memref<8x1024xf32, #tpu.memory_space<vmem>>) offsets(%dma_start3A_48 : memref<8xi32, #tpu.memory_space<vmem>>) semaphore(%arg17 : memref<!tpu.dma_semaphore, #tpu.memory_space<semaphore_mem>>)
    %dma_start3A_52 = arith.constant 32 : i32
    %dma_start3A_53 = tpu.memref_slice %arg5[%dma_start3A_52] : memref<512xi32, #tpu.memory_space<vmem>> -> memref<8xi32, #tpu.memory_space<vmem>>
    %dma_start3A_54 = arith.constant 0 : i32
    %dma_start3A_55 = arith.constant 0 : i32
    %dma_start3A_56 = tpu.memref_slice %arg2[%dma_start3A_54, %dma_start3A_55] : memref<100000x1024xf32, #tpu.memory_space<hbm>> -> memref<100000x1024xf32, #tpu.memory_space<hbm>>
    tpu.enqueue_indirect_dma source(%dma_start3A_56 : memref<100000x1024xf32, #tpu.memory_space<hbm>>) target(%arg10 : memref<8x1024xf32, #tpu.memory_space<vmem>>) offsets(%dma_start3A_53 : memref<8xi32, #tpu.memory_space<vmem>>) semaphore(%arg18 : memref<!tpu.dma_semaphore, #tpu.memory_space<semaphore_mem>>)
    %dma_start3A_57 = arith.constant 40 : i32
    %dma_start3A_58 = tpu.memref_slice %arg5[%dma_start3A_57] : memref<512xi32, #tpu.memory_space<vmem>> -> memref<8xi32, #tpu.memory_space<vmem>>
    %dma_start3A_59 = arith.constant 0 : i32
    %dma_start3A_60 = arith.constant 0 : i32
    %dma_start3A_61 = tpu.memref_slice %arg2[%dma_start3A_59, %dma_start3A_60] : memref<100000x1024xf32, #tpu.memory_space<hbm>> -> memref<100000x1024xf32, #tpu.memory_space<hbm>>
    tpu.enqueue_indirect_dma source(%dma_start3A_61 : memref<100000x1024xf32, #tpu.memory_space<hbm>>) target(%arg11 : memref<8x1024xf32, #tpu.memory_space<vmem>>) offsets(%dma_start3A_58 : memref<8xi32, #tpu.memory_space<vmem>>) semaphore(%arg19 : memref<!tpu.dma_semaphore, #tpu.memory_space<semaphore_mem>>)
    %dma_start3A_62 = arith.constant 48 : i32
    %dma_start3A_63 = tpu.memref_slice %arg5[%dma_start3A_62] : memref<512xi32, #tpu.memory_space<vmem>> -> memref<8xi32, #tpu.memory_space<vmem>>
    %dma_start3A_64 = arith.constant 0 : i32
    %dma_start3A_65 = arith.constant 0 : i32
    %dma_start3A_66 = tpu.memref_slice %arg2[%dma_start3A_64, %dma_start3A_65] : memref<100000x1024xf32, #tpu.memory_space<hbm>> -> memref<100000x1024xf32, #tpu.memory_space<hbm>>
    tpu.enqueue_indirect_dma source(%dma_start3A_66 : memref<100000x1024xf32, #tpu.memory_space<hbm>>) target(%arg12 : memref<8x1024xf32, #tpu.memory_space<vmem>>) offsets(%dma_start3A_63 : memref<8xi32, #tpu.memory_space<vmem>>) semaphore(%arg20 : memref<!tpu.dma_semaphore, #tpu.memory_space<semaphore_mem>>)
    %dma_start3A_67 = arith.constant 56 : i32
    %dma_start3A_68 = tpu.memref_slice %arg5[%dma_start3A_67] : memref<512xi32, #tpu.memory_space<vmem>> -> memref<8xi32, #tpu.memory_space<vmem>>
    %dma_start3A_69 = arith.constant 0 : i32
    %dma_start3A_70 = arith.constant 0 : i32
    %dma_start3A_71 = tpu.memref_slice %arg2[%dma_start3A_69, %dma_start3A_70] : memref<100000x1024xf32, #tpu.memory_space<hbm>> -> memref<100000x1024xf32, #tpu.memory_space<hbm>>
    tpu.enqueue_indirect_dma source(%dma_start3A_71 : memref<100000x1024xf32, #tpu.memory_space<hbm>>) target(%arg13 : memref<8x1024xf32, #tpu.memory_space<vmem>>) offsets(%dma_start3A_68 : memref<8xi32, #tpu.memory_space<vmem>>) semaphore(%arg21 : memref<!tpu.dma_semaphore, #tpu.memory_space<semaphore_mem>>)
    %scan3A = arith.constant 0 : i32
    %scan3A_72 = arith.constant 0 : i32
    %scan3A_73 = arith.constant 8 : i32
    %scan3A_74 = arith.addi %scan3A_72, %scan3A_73 : i32
    %scan3A_75 = arith.constant 1 : i32
    scf.for %scan3A_92 = %scan3A_72 to %scan3A_74 step %scan3A_75  : i32 {
      %mul3A_93 = arith.constant 8 : i32
      %mul3A_94 = arith.muli %scan3A_92, %mul3A_93 : i32
      %add3A_95 = arith.constant 0 : i32
      %add3A_96 = arith.addi %mul3A_94, %add3A_95 : i32
      %mul3A_97 = arith.constant 8 : i32
      %mul3A_98 = arith.muli %add3A_96, %mul3A_97 : i32
      %dma_wait3A_99 = tpu.memref_slice %arg5[%mul3A_98] : memref<512xi32, #tpu.memory_space<vmem>> -> memref<8xi32, #tpu.memory_space<vmem>>
      %dma_wait3A_100 = arith.constant 0 : i32
      %dma_wait3A_101 = arith.constant 0 : i32
      %dma_wait3A_102 = tpu.memref_slice %arg2[%dma_wait3A_100, %dma_wait3A_101] : memref<100000x1024xf32, #tpu.memory_space<hbm>> -> memref<100000x1024xf32, #tpu.memory_space<hbm>>
      tpu.wait_indirect_dma semaphore(%arg14 : memref<!tpu.dma_semaphore, #tpu.memory_space<semaphore_mem>>) src(%dma_wait3A_102 : memref<100000x1024xf32, #tpu.memory_space<hbm>>) dst(%arg6 : memref<8x1024xf32, #tpu.memory_space<vmem>>)
      %parallel_loop3A = arith.constant 0 : i32
      %parallel_loop3A_103 = arith.constant 8192 : i32
      %parallel_loop3A_104 = arith.constant 16 : i32
      scf.for %parallel_loop3A_369 = %parallel_loop3A to %parallel_loop3A_103 step %parallel_loop3A_104  : i32 {
        %parallel_loop3A_370 = arith.constant 10 : i32
        %parallel_loop3A_371 = arith.shrsi %parallel_loop3A_369, %parallel_loop3A_370 : i32
        %parallel_loop3A_372 = arith.constant 1023 : i32
        %parallel_loop3A_373 = arith.andi %parallel_loop3A_369, %parallel_loop3A_372 : i32
        %parallel_loop3A_374 = tpu.assume_multiple %parallel_loop3A_373, 16 : i32
        %parallel_loop3A_375 = arith.index_cast %parallel_loop3A_371 : i32 to index
        %parallel_loop3A_376 = arith.index_cast %parallel_loop3A_374 : i32 to index
        %parallel_loop3A_377 = tpu.vector_load %arg6[%parallel_loop3A_375, %parallel_loop3A_376] {strides = array<i32>} : memref<8x1024xf32, #tpu.memory_space<vmem>>, vector<1x16xf32>,
        %parallel_loop3A_378 = vector.shape_cast %parallel_loop3A_377 : vector<1x16xf32> to vector<16xf32>
        %parallel_loop3A_379 = arith.constant 3.200000e+01 : f32
        %parallel_loop3A_380 = vector.broadcast %parallel_loop3A_379 : f32 to vector<16xf32>
        %parallel_loop3A_381 = arith.mulf %parallel_loop3A_378, %parallel_loop3A_380 : vector<16xf32>
        %parallel_loop3A_382 = arith.index_cast %parallel_loop3A_371 : i32 to index
        %parallel_loop3A_383 = arith.index_cast %parallel_loop3A_374 : i32 to index
        %parallel_loop3A_384 = tpu.vector_load %arg6[%parallel_loop3A_382, %parallel_loop3A_383] {strides = array<i32>} : memref<8x1024xf32, #tpu.memory_space<vmem>>, vector<1x16xf32>,
        %parallel_loop3A_385 = vector.shape_cast %parallel_loop3A_384 : vector<1x16xf32> to vector<16xf32>
        %parallel_loop3A_386 = vector.shape_cast %parallel_loop3A_381 : vector<16xf32> to vector<1x16xf32>
        tpu.vector_store %arg6[%parallel_loop3A_382, %parallel_loop3A_383], %parallel_loop3A_386 {strides = array<i32>} : memref<8x1024xf32, #tpu.memory_space<vmem>>, vector<1x16xf32>,
      } {sc.loop_unroll_factor = 8 : i64, sc.parallel_access}
      %mul3A_105 = arith.constant 8 : i32
      %mul3A_106 = arith.muli %add3A_96, %mul3A_105 : i32
      %add3A_107 = arith.addi %mul3A_32, %mul3A_106 : i32
      %dma_start3A_108 = arith.constant 0 : i32
      %dma_start3A_109 = tpu.memref_slice %arg4[%select_n3A, %add3A_107, %dma_start3A_108] : memref<4x4096x1024xf32, #tpu.memory_space<hbm>> -> memref<1x8x1024xf32, #tpu.memory_space<hbm>>
      %dma_start3A_110 = tpu.memref_squeeze %dma_start3A_109 : memref<1x8x1024xf32, #tpu.memory_space<hbm>> -> memref<8x1024xf32, #tpu.memory_space<hbm>>
      %dma_start3A_111 = arith.constant 0 : i32
      %dma_start3A_112 = tpu.memref_slice %arg4[%select_n3A, %add3A_107, %dma_start3A_111] : memref<4x4096x1024xf32, #tpu.memory_space<hbm>> -> memref<1x8x1024xf32, #tpu.memory_space<hbm>>
      %dma_start3A_113 = tpu.memref_squeeze %dma_start3A_112 : memref<1x8x1024xf32, #tpu.memory_space<hbm>> -> memref<8x1024xf32, #tpu.memory_space<hbm>>
      tpu.enqueue_dma source(%arg6 : memref<8x1024xf32, #tpu.memory_space<vmem>>) target(%dma_start3A_113 : memref<8x1024xf32, #tpu.memory_space<hbm>>) target_semaphore(%arg22 : memref<!tpu.dma_semaphore, #tpu.memory_space<semaphore_mem>>)
      %ge3A = arith.constant 2 : i32
      %ge3A_114 = arith.cmpi sge, %add3A_96, %ge3A : i32
      %convert_element_type3A = arith.extui %ge3A_114 : i1 to i32
      %cond3A = arith.constant 0 : i32
      %cond3A_115 = arith.cmpi ne, %convert_element_type3A, %cond3A : i32
      scf.if %cond3A_115 {
        %sub3A_369 = arith.constant 2 : i32
        %sub3A_370 = arith.subi %add3A_96, %sub3A_369 : i32
        %mul3A_371 = arith.constant 8 : i32
        %mul3A_372 = arith.muli %sub3A_370, %mul3A_371 : i32
        %add3A_373 = arith.addi %mul3A_32, %mul3A_372 : i32
        %dma_wait3A_374 = arith.constant 0 : i32
        %dma_wait3A_375 = tpu.memref_slice %arg4[%select_n3A, %add3A_373, %dma_wait3A_374] : memref<4x4096x1024xf32, #tpu.memory_space<hbm>> -> memref<1x8x1024xf32, #tpu.memory_space<hbm>>
        %dma_wait3A_376 = tpu.memref_squeeze %dma_wait3A_375 : memref<1x8x1024xf32, #tpu.memory_space<hbm>> -> memref<8x1024xf32, #tpu.memory_space<hbm>>
        %dma_wait3A_377 = arith.constant 0 : i32
        %dma_wait3A_378 = tpu.memref_slice %arg4[%select_n3A, %add3A_373, %dma_wait3A_377] : memref<4x4096x1024xf32, #tpu.memory_space<hbm>> -> memref<1x8x1024xf32, #tpu.memory_space<hbm>>
        %dma_wait3A_379 = tpu.memref_squeeze %dma_wait3A_378 : memref<1x8x1024xf32, #tpu.memory_space<hbm>> -> memref<8x1024xf32, #tpu.memory_space<hbm>>
        tpu.wait_dma2 semaphore(%arg28 : memref<!tpu.dma_semaphore, #tpu.memory_space<semaphore_mem>>) src(%arg12 : memref<8x1024xf32, #tpu.memory_space<vmem>>) dst(%dma_wait3A_379 : memref<8x1024xf32, #tpu.memory_space<hbm>>)
      } else {
      }
      %ge3A_116 = arith.constant 2 : i32
      %ge3A_117 = arith.cmpi sge, %add3A_96, %ge3A_116 : i32
      %lt3A_118 = arith.constant 58 : i32
      %lt3A_119 = arith.cmpi slt, %add3A_96, %lt3A_118 : i32
      %and3A_120 = arith.andi %ge3A_117, %lt3A_119 : i1
      %convert_element_type3A_121 = arith.extui %and3A_120 : i1 to i32
      %cond3A_122 = arith.constant 0 : i32
      %cond3A_123 = arith.cmpi ne, %convert_element_type3A_121, %cond3A_122 : i32
      scf.if %cond3A_123 {
        %add3A_369 = arith.constant 8 : i32
        %add3A_370 = arith.addi %add3A_96, %add3A_369 : i32
        %sub3A_371 = arith.constant 2 : i32
        %sub3A_372 = arith.subi %add3A_370, %sub3A_371 : i32
        %mul3A_373 = arith.constant 8 : i32
        %mul3A_374 = arith.muli %sub3A_372, %mul3A_373 : i32
        %dma_start3A_375 = tpu.memref_slice %arg5[%mul3A_374] : memref<512xi32, #tpu.memory_space<vmem>> -> memref<8xi32, #tpu.memory_space<vmem>>
        %dma_start3A_376 = arith.constant 0 : i32
        %dma_start3A_377 = arith.constant 0 : i32
        %dma_start3A_378 = tpu.memref_slice %arg2[%dma_start3A_376, %dma_start3A_377] : memref<100000x1024xf32, #tpu.memory_space<hbm>> -> memref<100000x1024xf32, #tpu.memory_space<hbm>>
        tpu.enqueue_indirect_dma source(%dma_start3A_378 : memref<100000x1024xf32, #tpu.memory_space<hbm>>) target(%arg12 : memref<8x1024xf32, #tpu.memory_space<vmem>>) offsets(%dma_start3A_375 : memref<8xi32, #tpu.memory_space<vmem>>) semaphore(%arg20 : memref<!tpu.dma_semaphore, #tpu.memory_space<semaphore_mem>>)
      } else {
      }
      %mul3A_124 = arith.constant 8 : i32
      %mul3A_125 = arith.muli %scan3A_92, %mul3A_124 : i32
      %add3A_126 = arith.constant 1 : i32
      %add3A_127 = arith.addi %mul3A_125, %add3A_126 : i32
      %mul3A_128 = arith.constant 8 : i32
      %mul3A_129 = arith.muli %add3A_127, %mul3A_128 : i32
      %dma_wait3A_130 = tpu.memref_slice %arg5[%mul3A_129] : memref<512xi32, #tpu.memory_space<vmem>> -> memref<8xi32, #tpu.memory_space<vmem>>
      %dma_wait3A_131 = arith.constant 0 : i32
      %dma_wait3A_132 = arith.constant 0 : i32
      %dma_wait3A_133 = tpu.memref_slice %arg2[%dma_wait3A_131, %dma_wait3A_132] : memref<100000x1024xf32, #tpu.memory_space<hbm>> -> memref<100000x1024xf32, #tpu.memory_space<hbm>>
      tpu.wait_indirect_dma semaphore(%arg15 : memref<!tpu.dma_semaphore, #tpu.memory_space<semaphore_mem>>) src(%dma_wait3A_133 : memref<100000x1024xf32, #tpu.memory_space<hbm>>) dst(%arg7 : memref<8x1024xf32, #tpu.memory_space<vmem>>)
      %parallel_loop3A_134 = arith.constant 0 : i32
      %parallel_loop3A_135 = arith.constant 8192 : i32
      %parallel_loop3A_136 = arith.constant 16 : i32
      scf.for %parallel_loop3A_369 = %parallel_loop3A_134 to %parallel_loop3A_135 step %parallel_loop3A_136  : i32 {
        %parallel_loop3A_370 = arith.constant 10 : i32
        %parallel_loop3A_371 = arith.shrsi %parallel_loop3A_369, %parallel_loop3A_370 : i32
        %parallel_loop3A_372 = arith.constant 1023 : i32
        %parallel_loop3A_373 = arith.andi %parallel_loop3A_369, %parallel_loop3A_372 : i32
        %parallel_loop3A_374 = tpu.assume_multiple %parallel_loop3A_373, 16 : i32
        %parallel_loop3A_375 = arith.index_cast %parallel_loop3A_371 : i32 to index
        %parallel_loop3A_376 = arith.index_cast %parallel_loop3A_374 : i32 to index
        %parallel_loop3A_377 = tpu.vector_load %arg7[%parallel_loop3A_375, %parallel_loop3A_376] {strides = array<i32>} : memref<8x1024xf32, #tpu.memory_space<vmem>>, vector<1x16xf32>,
        %parallel_loop3A_378 = vector.shape_cast %parallel_loop3A_377 : vector<1x16xf32> to vector<16xf32>
        %parallel_loop3A_379 = arith.constant 3.200000e+01 : f32
        %parallel_loop3A_380 = vector.broadcast %parallel_loop3A_379 : f32 to vector<16xf32>
        %parallel_loop3A_381 = arith.mulf %parallel_loop3A_378, %parallel_loop3A_380 : vector<16xf32>
        %parallel_loop3A_382 = arith.index_cast %parallel_loop3A_371 : i32 to index
        %parallel_loop3A_383 = arith.index_cast %parallel_loop3A_374 : i32 to index
        %parallel_loop3A_384 = tpu.vector_load %arg7[%parallel_loop3A_382, %parallel_loop3A_383] {strides = array<i32>} : memref<8x1024xf32, #tpu.memory_space<vmem>>, vector<1x16xf32>,
        %parallel_loop3A_385 = vector.shape_cast %parallel_loop3A_384 : vector<1x16xf32> to vector<16xf32>
        %parallel_loop3A_386 = vector.shape_cast %parallel_loop3A_381 : vector<16xf32> to vector<1x16xf32>
        tpu.vector_store %arg7[%parallel_loop3A_382, %parallel_loop3A_383], %parallel_loop3A_386 {strides = array<i32>} : memref<8x1024xf32, #tpu.memory_space<vmem>>, vector<1x16xf32>,
      } {sc.loop_unroll_factor = 8 : i64, sc.parallel_access}
      %mul3A_137 = arith.constant 8 : i32
      %mul3A_138 = arith.muli %add3A_127, %mul3A_137 : i32
      %add3A_139 = arith.addi %mul3A_32, %mul3A_138 : i32
      %dma_start3A_140 = arith.constant 0 : i32
      %dma_start3A_141 = tpu.memref_slice %arg4[%select_n3A, %add3A_139, %dma_start3A_140] : memref<4x4096x1024xf32, #tpu.memory_space<hbm>> -> memref<1x8x1024xf32, #tpu.memory_space<hbm>>
      %dma_start3A_142 = tpu.memref_squeeze %dma_start3A_141 : memref<1x8x1024xf32, #tpu.memory_space<hbm>> -> memref<8x1024xf32, #tpu.memory_space<hbm>>
      %dma_start3A_143 = arith.constant 0 : i32
      %dma_start3A_144 = tpu.memref_slice %arg4[%select_n3A, %add3A_139, %dma_start3A_143] : memref<4x4096x1024xf32, #tpu.memory_space<hbm>> -> memref<1x8x1024xf32, #tpu.memory_space<hbm>>
      %dma_start3A_145 = tpu.memref_squeeze %dma_start3A_144 : memref<1x8x1024xf32, #tpu.memory_space<hbm>> -> memref<8x1024xf32, #tpu.memory_space<hbm>>
      tpu.enqueue_dma source(%arg7 : memref<8x1024xf32, #tpu.memory_space<vmem>>) target(%dma_start3A_145 : memref<8x1024xf32, #tpu.memory_space<hbm>>) target_semaphore(%arg23 : memref<!tpu.dma_semaphore, #tpu.memory_space<semaphore_mem>>)
      %ge3A_146 = arith.constant 2 : i32
      %ge3A_147 = arith.cmpi sge, %add3A_127, %ge3A_146 : i32
      %convert_element_type3A_148 = arith.extui %ge3A_147 : i1 to i32
      %cond3A_149 = arith.constant 0 : i32
      %cond3A_150 = arith.cmpi ne, %convert_element_type3A_148, %cond3A_149 : i32
      scf.if %cond3A_150 {
        %sub3A_369 = arith.constant 2 : i32
        %sub3A_370 = arith.subi %add3A_127, %sub3A_369 : i32
        %mul3A_371 = arith.constant 8 : i32
        %mul3A_372 = arith.muli %sub3A_370, %mul3A_371 : i32
        %add3A_373 = arith.addi %mul3A_32, %mul3A_372 : i32
        %dma_wait3A_374 = arith.constant 0 : i32
        %dma_wait3A_375 = tpu.memref_slice %arg4[%select_n3A, %add3A_373, %dma_wait3A_374] : memref<4x4096x1024xf32, #tpu.memory_space<hbm>> -> memref<1x8x1024xf32, #tpu.memory_space<hbm>>
        %dma_wait3A_376 = tpu.memref_squeeze %dma_wait3A_375 : memref<1x8x1024xf32, #tpu.memory_space<hbm>> -> memref<8x1024xf32, #tpu.memory_space<hbm>>
        %dma_wait3A_377 = arith.constant 0 : i32
        %dma_wait3A_378 = tpu.memref_slice %arg4[%select_n3A, %add3A_373, %dma_wait3A_377] : memref<4x4096x1024xf32, #tpu.memory_space<hbm>> -> memref<1x8x1024xf32, #tpu.memory_space<hbm>>
        %dma_wait3A_379 = tpu.memref_squeeze %dma_wait3A_378 : memref<1x8x1024xf32, #tpu.memory_space<hbm>> -> memref<8x1024xf32, #tpu.memory_space<hbm>>
        tpu.wait_dma2 semaphore(%arg29 : memref<!tpu.dma_semaphore, #tpu.memory_space<semaphore_mem>>) src(%arg13 : memref<8x1024xf32, #tpu.memory_space<vmem>>) dst(%dma_wait3A_379 : memref<8x1024xf32, #tpu.memory_space<hbm>>)
      } else {
      }
      %ge3A_151 = arith.constant 2 : i32
      %ge3A_152 = arith.cmpi sge, %add3A_127, %ge3A_151 : i32
      %lt3A_153 = arith.constant 58 : i32
      %lt3A_154 = arith.cmpi slt, %add3A_127, %lt3A_153 : i32
      %and3A_155 = arith.andi %ge3A_152, %lt3A_154 : i1
      %convert_element_type3A_156 = arith.extui %and3A_155 : i1 to i32
      %cond3A_157 = arith.constant 0 : i32
      %cond3A_158 = arith.cmpi ne, %convert_element_type3A_156, %cond3A_157 : i32
      scf.if %cond3A_158 {
        %add3A_369 = arith.constant 8 : i32
        %add3A_370 = arith.addi %add3A_127, %add3A_369 : i32
        %sub3A_371 = arith.constant 2 : i32
        %sub3A_372 = arith.subi %add3A_370, %sub3A_371 : i32
        %mul3A_373 = arith.constant 8 : i32
        %mul3A_374 = arith.muli %sub3A_372, %mul3A_373 : i32
        %dma_start3A_375 = tpu.memref_slice %arg5[%mul3A_374] : memref<512xi32, #tpu.memory_space<vmem>> -> memref<8xi32, #tpu.memory_space<vmem>>
        %dma_start3A_376 = arith.constant 0 : i32
        %dma_start3A_377 = arith.constant 0 : i32
        %dma_start3A_378 = tpu.memref_slice %arg2[%dma_start3A_376, %dma_start3A_377] : memref<100000x1024xf32, #tpu.memory_space<hbm>> -> memref<100000x1024xf32, #tpu.memory_space<hbm>>
        tpu.enqueue_indirect_dma source(%dma_start3A_378 : memref<100000x1024xf32, #tpu.memory_space<hbm>>) target(%arg13 : memref<8x1024xf32, #tpu.memory_space<vmem>>) offsets(%dma_start3A_375 : memref<8xi32, #tpu.memory_space<vmem>>) semaphore(%arg21 : memref<!tpu.dma_semaphore, #tpu.memory_space<semaphore_mem>>)
      } else {
      }
      %mul3A_159 = arith.constant 8 : i32
      %mul3A_160 = arith.muli %scan3A_92, %mul3A_159 : i32
      %add3A_161 = arith.constant 2 : i32
      %add3A_162 = arith.addi %mul3A_160, %add3A_161 : i32
      %mul3A_163 = arith.constant 8 : i32
      %mul3A_164 = arith.muli %add3A_162, %mul3A_163 : i32
      %dma_wait3A_165 = tpu.memref_slice %arg5[%mul3A_164] : memref<512xi32, #tpu.memory_space<vmem>> -> memref<8xi32, #tpu.memory_space<vmem>>
      %dma_wait3A_166 = arith.constant 0 : i32
      %dma_wait3A_167 = arith.constant 0 : i32
      %dma_wait3A_168 = tpu.memref_slice %arg2[%dma_wait3A_166, %dma_wait3A_167] : memref<100000x1024xf32, #tpu.memory_space<hbm>> -> memref<100000x1024xf32, #tpu.memory_space<hbm>>
      tpu.wait_indirect_dma semaphore(%arg16 : memref<!tpu.dma_semaphore, #tpu.memory_space<semaphore_mem>>) src(%dma_wait3A_168 : memref<100000x1024xf32, #tpu.memory_space<hbm>>) dst(%arg8 : memref<8x1024xf32, #tpu.memory_space<vmem>>)
      %parallel_loop3A_169 = arith.constant 0 : i32
      %parallel_loop3A_170 = arith.constant 8192 : i32
      %parallel_loop3A_171 = arith.constant 16 : i32
      scf.for %parallel_loop3A_369 = %parallel_loop3A_169 to %parallel_loop3A_170 step %parallel_loop3A_171  : i32 {
        %parallel_loop3A_370 = arith.constant 10 : i32
        %parallel_loop3A_371 = arith.shrsi %parallel_loop3A_369, %parallel_loop3A_370 : i32
        %parallel_loop3A_372 = arith.constant 1023 : i32
        %parallel_loop3A_373 = arith.andi %parallel_loop3A_369, %parallel_loop3A_372 : i32
        %parallel_loop3A_374 = tpu.assume_multiple %parallel_loop3A_373, 16 : i32
        %parallel_loop3A_375 = arith.index_cast %parallel_loop3A_371 : i32 to index
        %parallel_loop3A_376 = arith.index_cast %parallel_loop3A_374 : i32 to index
        %parallel_loop3A_377 = tpu.vector_load %arg8[%parallel_loop3A_375, %parallel_loop3A_376] {strides = array<i32>} : memref<8x1024xf32, #tpu.memory_space<vmem>>, vector<1x16xf32>,
        %parallel_loop3A_378 = vector.shape_cast %parallel_loop3A_377 : vector<1x16xf32> to vector<16xf32>
        %parallel_loop3A_379 = arith.constant 3.200000e+01 : f32
        %parallel_loop3A_380 = vector.broadcast %parallel_loop3A_379 : f32 to vector<16xf32>
        %parallel_loop3A_381 = arith.mulf %parallel_loop3A_378, %parallel_loop3A_380 : vector<16xf32>
        %parallel_loop3A_382 = arith.index_cast %parallel_loop3A_371 : i32 to index
        %parallel_loop3A_383 = arith.index_cast %parallel_loop3A_374 : i32 to index
        %parallel_loop3A_384 = tpu.vector_load %arg8[%parallel_loop3A_382, %parallel_loop3A_383] {strides = array<i32>} : memref<8x1024xf32, #tpu.memory_space<vmem>>, vector<1x16xf32>,
        %parallel_loop3A_385 = vector.shape_cast %parallel_loop3A_384 : vector<1x16xf32> to vector<16xf32>
        %parallel_loop3A_386 = vector.shape_cast %parallel_loop3A_381 : vector<16xf32> to vector<1x16xf32>
        tpu.vector_store %arg8[%parallel_loop3A_382, %parallel_loop3A_383], %parallel_loop3A_386 {strides = array<i32>} : memref<8x1024xf32, #tpu.memory_space<vmem>>, vector<1x16xf32>,
      } {sc.loop_unroll_factor = 8 : i64, sc.parallel_access}
      %mul3A_172 = arith.constant 8 : i32
      %mul3A_173 = arith.muli %add3A_162, %mul3A_172 : i32
      %add3A_174 = arith.addi %mul3A_32, %mul3A_173 : i32
      %dma_start3A_175 = arith.constant 0 : i32
      %dma_start3A_176 = tpu.memref_slice %arg4[%select_n3A, %add3A_174, %dma_start3A_175] : memref<4x4096x1024xf32, #tpu.memory_space<hbm>> -> memref<1x8x1024xf32, #tpu.memory_space<hbm>>
      %dma_start3A_177 = tpu.memref_squeeze %dma_start3A_176 : memref<1x8x1024xf32, #tpu.memory_space<hbm>> -> memref<8x1024xf32, #tpu.memory_space<hbm>>
      %dma_start3A_178 = arith.constant 0 : i32
      %dma_start3A_179 = tpu.memref_slice %arg4[%select_n3A, %add3A_174, %dma_start3A_178] : memref<4x4096x1024xf32, #tpu.memory_space<hbm>> -> memref<1x8x1024xf32, #tpu.memory_space<hbm>>
      %dma_start3A_180 = tpu.memref_squeeze %dma_start3A_179 : memref<1x8x1024xf32, #tpu.memory_space<hbm>> -> memref<8x1024xf32, #tpu.memory_space<hbm>>
      tpu.enqueue_dma source(%arg8 : memref<8x1024xf32, #tpu.memory_space<vmem>>) target(%dma_start3A_180 : memref<8x1024xf32, #tpu.memory_space<hbm>>) target_semaphore(%arg24 : memref<!tpu.dma_semaphore, #tpu.memory_space<semaphore_mem>>)
      %ge3A_181 = arith.constant 2 : i32
      %ge3A_182 = arith.cmpi sge, %add3A_162, %ge3A_181 : i32
      %convert_element_type3A_183 = arith.extui %ge3A_182 : i1 to i32
      %cond3A_184 = arith.constant 0 : i32
      %cond3A_185 = arith.cmpi ne, %convert_element_type3A_183, %cond3A_184 : i32
      scf.if %cond3A_185 {
        %sub3A_369 = arith.constant 2 : i32
        %sub3A_370 = arith.subi %add3A_162, %sub3A_369 : i32
        %mul3A_371 = arith.constant 8 : i32
        %mul3A_372 = arith.muli %sub3A_370, %mul3A_371 : i32
        %add3A_373 = arith.addi %mul3A_32, %mul3A_372 : i32
        %dma_wait3A_374 = arith.constant 0 : i32
        %dma_wait3A_375 = tpu.memref_slice %arg4[%select_n3A, %add3A_373, %dma_wait3A_374] : memref<4x4096x1024xf32, #tpu.memory_space<hbm>> -> memref<1x8x1024xf32, #tpu.memory_space<hbm>>
        %dma_wait3A_376 = tpu.memref_squeeze %dma_wait3A_375 : memref<1x8x1024xf32, #tpu.memory_space<hbm>> -> memref<8x1024xf32, #tpu.memory_space<hbm>>
        %dma_wait3A_377 = arith.constant 0 : i32
        %dma_wait3A_378 = tpu.memref_slice %arg4[%select_n3A, %add3A_373, %dma_wait3A_377] : memref<4x4096x1024xf32, #tpu.memory_space<hbm>> -> memref<1x8x1024xf32, #tpu.memory_space<hbm>>
        %dma_wait3A_379 = tpu.memref_squeeze %dma_wait3A_378 : memref<1x8x1024xf32, #tpu.memory_space<hbm>> -> memref<8x1024xf32, #tpu.memory_space<hbm>>
        tpu.wait_dma2 semaphore(%arg22 : memref<!tpu.dma_semaphore, #tpu.memory_space<semaphore_mem>>) src(%arg6 : memref<8x1024xf32, #tpu.memory_space<vmem>>) dst(%dma_wait3A_379 : memref<8x1024xf32, #tpu.memory_space<hbm>>)
      } else {
      }
      %ge3A_186 = arith.constant 2 : i32
      %ge3A_187 = arith.cmpi sge, %add3A_162, %ge3A_186 : i32
      %lt3A_188 = arith.constant 58 : i32
      %lt3A_189 = arith.cmpi slt, %add3A_162, %lt3A_188 : i32
      %and3A_190 = arith.andi %ge3A_187, %lt3A_189 : i1
      %convert_element_type3A_191 = arith.extui %and3A_190 : i1 to i32
      %cond3A_192 = arith.constant 0 : i32
      %cond3A_193 = arith.cmpi ne, %convert_element_type3A_191, %cond3A_192 : i32
      scf.if %cond3A_193 {
        %add3A_369 = arith.constant 8 : i32
        %add3A_370 = arith.addi %add3A_162, %add3A_369 : i32
        %sub3A_371 = arith.constant 2 : i32
        %sub3A_372 = arith.subi %add3A_370, %sub3A_371 : i32
        %mul3A_373 = arith.constant 8 : i32
        %mul3A_374 = arith.muli %sub3A_372, %mul3A_373 : i32
        %dma_start3A_375 = tpu.memref_slice %arg5[%mul3A_374] : memref<512xi32, #tpu.memory_space<vmem>> -> memref<8xi32, #tpu.memory_space<vmem>>
        %dma_start3A_376 = arith.constant 0 : i32
        %dma_start3A_377 = arith.constant 0 : i32
        %dma_start3A_378 = tpu.memref_slice %arg2[%dma_start3A_376, %dma_start3A_377] : memref<100000x1024xf32, #tpu.memory_space<hbm>> -> memref<100000x1024xf32, #tpu.memory_space<hbm>>
        tpu.enqueue_indirect_dma source(%dma_start3A_378 : memref<100000x1024xf32, #tpu.memory_space<hbm>>) target(%arg6 : memref<8x1024xf32, #tpu.memory_space<vmem>>) offsets(%dma_start3A_375 : memref<8xi32, #tpu.memory_space<vmem>>) semaphore(%arg14 : memref<!tpu.dma_semaphore, #tpu.memory_space<semaphore_mem>>)
      } else {
      }
      %mul3A_194 = arith.constant 8 : i32
      %mul3A_195 = arith.muli %scan3A_92, %mul3A_194 : i32
      %add3A_196 = arith.constant 3 : i32
      %add3A_197 = arith.addi %mul3A_195, %add3A_196 : i32
      %mul3A_198 = arith.constant 8 : i32
      %mul3A_199 = arith.muli %add3A_197, %mul3A_198 : i32
      %dma_wait3A_200 = tpu.memref_slice %arg5[%mul3A_199] : memref<512xi32, #tpu.memory_space<vmem>> -> memref<8xi32, #tpu.memory_space<vmem>>
      %dma_wait3A_201 = arith.constant 0 : i32
      %dma_wait3A_202 = arith.constant 0 : i32
      %dma_wait3A_203 = tpu.memref_slice %arg2[%dma_wait3A_201, %dma_wait3A_202] : memref<100000x1024xf32, #tpu.memory_space<hbm>> -> memref<100000x1024xf32, #tpu.memory_space<hbm>>
      tpu.wait_indirect_dma semaphore(%arg17 : memref<!tpu.dma_semaphore, #tpu.memory_space<semaphore_mem>>) src(%dma_wait3A_203 : memref<100000x1024xf32, #tpu.memory_space<hbm>>) dst(%arg9 : memref<8x1024xf32, #tpu.memory_space<vmem>>)
      %parallel_loop3A_204 = arith.constant 0 : i32
      %parallel_loop3A_205 = arith.constant 8192 : i32
      %parallel_loop3A_206 = arith.constant 16 : i32
      scf.for %parallel_loop3A_369 = %parallel_loop3A_204 to %parallel_loop3A_205 step %parallel_loop3A_206  : i32 {
        %parallel_loop3A_370 = arith.constant 10 : i32
        %parallel_loop3A_371 = arith.shrsi %parallel_loop3A_369, %parallel_loop3A_370 : i32
        %parallel_loop3A_372 = arith.constant 1023 : i32
        %parallel_loop3A_373 = arith.andi %parallel_loop3A_369, %parallel_loop3A_372 : i32
        %parallel_loop3A_374 = tpu.assume_multiple %parallel_loop3A_373, 16 : i32
        %parallel_loop3A_375 = arith.index_cast %parallel_loop3A_371 : i32 to index
        %parallel_loop3A_376 = arith.index_cast %parallel_loop3A_374 : i32 to index
        %parallel_loop3A_377 = tpu.vector_load %arg9[%parallel_loop3A_375, %parallel_loop3A_376] {strides = array<i32>} : memref<8x1024xf32, #tpu.memory_space<vmem>>, vector<1x16xf32>,
        %parallel_loop3A_378 = vector.shape_cast %parallel_loop3A_377 : vector<1x16xf32> to vector<16xf32>
        %parallel_loop3A_379 = arith.constant 3.200000e+01 : f32
        %parallel_loop3A_380 = vector.broadcast %parallel_loop3A_379 : f32 to vector<16xf32>
        %parallel_loop3A_381 = arith.mulf %parallel_loop3A_378, %parallel_loop3A_380 : vector<16xf32>
        %parallel_loop3A_382 = arith.index_cast %parallel_loop3A_371 : i32 to index
        %parallel_loop3A_383 = arith.index_cast %parallel_loop3A_374 : i32 to index
        %parallel_loop3A_384 = tpu.vector_load %arg9[%parallel_loop3A_382, %parallel_loop3A_383] {strides = array<i32>} : memref<8x1024xf32, #tpu.memory_space<vmem>>, vector<1x16xf32>,
        %parallel_loop3A_385 = vector.shape_cast %parallel_loop3A_384 : vector<1x16xf32> to vector<16xf32>
        %parallel_loop3A_386 = vector.shape_cast %parallel_loop3A_381 : vector<16xf32> to vector<1x16xf32>
        tpu.vector_store %arg9[%parallel_loop3A_382, %parallel_loop3A_383], %parallel_loop3A_386 {strides = array<i32>} : memref<8x1024xf32, #tpu.memory_space<vmem>>, vector<1x16xf32>,
      } {sc.loop_unroll_factor = 8 : i64, sc.parallel_access}
      %mul3A_207 = arith.constant 8 : i32
      %mul3A_208 = arith.muli %add3A_197, %mul3A_207 : i32
      %add3A_209 = arith.addi %mul3A_32, %mul3A_208 : i32
      %dma_start3A_210 = arith.constant 0 : i32
      %dma_start3A_211 = tpu.memref_slice %arg4[%select_n3A, %add3A_209, %dma_start3A_210] : memref<4x4096x1024xf32, #tpu.memory_space<hbm>> -> memref<1x8x1024xf32, #tpu.memory_space<hbm>>
      %dma_start3A_212 = tpu.memref_squeeze %dma_start3A_211 : memref<1x8x1024xf32, #tpu.memory_space<hbm>> -> memref<8x1024xf32, #tpu.memory_space<hbm>>
      %dma_start3A_213 = arith.constant 0 : i32
      %dma_start3A_214 = tpu.memref_slice %arg4[%select_n3A, %add3A_209, %dma_start3A_213] : memref<4x4096x1024xf32, #tpu.memory_space<hbm>> -> memref<1x8x1024xf32, #tpu.memory_space<hbm>>
      %dma_start3A_215 = tpu.memref_squeeze %dma_start3A_214 : memref<1x8x1024xf32, #tpu.memory_space<hbm>> -> memref<8x1024xf32, #tpu.memory_space<hbm>>
      tpu.enqueue_dma source(%arg9 : memref<8x1024xf32, #tpu.memory_space<vmem>>) target(%dma_start3A_215 : memref<8x1024xf32, #tpu.memory_space<hbm>>) target_semaphore(%arg25 : memref<!tpu.dma_semaphore, #tpu.memory_space<semaphore_mem>>)
      %ge3A_216 = arith.constant 2 : i32
      %ge3A_217 = arith.cmpi sge, %add3A_197, %ge3A_216 : i32
      %convert_element_type3A_218 = arith.extui %ge3A_217 : i1 to i32
      %cond3A_219 = arith.constant 0 : i32
      %cond3A_220 = arith.cmpi ne, %convert_element_type3A_218, %cond3A_219 : i32
      scf.if %cond3A_220 {
        %sub3A_369 = arith.constant 2 : i32
        %sub3A_370 = arith.subi %add3A_197, %sub3A_369 : i32
        %mul3A_371 = arith.constant 8 : i32
        %mul3A_372 = arith.muli %sub3A_370, %mul3A_371 : i32
        %add3A_373 = arith.addi %mul3A_32, %mul3A_372 : i32
        %dma_wait3A_374 = arith.constant 0 : i32
        %dma_wait3A_375 = tpu.memref_slice %arg4[%select_n3A, %add3A_373, %dma_wait3A_374] : memref<4x4096x1024xf32, #tpu.memory_space<hbm>> -> memref<1x8x1024xf32, #tpu.memory_space<hbm>>
        %dma_wait3A_376 = tpu.memref_squeeze %dma_wait3A_375 : memref<1x8x1024xf32, #tpu.memory_space<hbm>> -> memref<8x1024xf32, #tpu.memory_space<hbm>>
        %dma_wait3A_377 = arith.constant 0 : i32
        %dma_wait3A_378 = tpu.memref_slice %arg4[%select_n3A, %add3A_373, %dma_wait3A_377] : memref<4x4096x1024xf32, #tpu.memory_space<hbm>> -> memref<1x8x1024xf32, #tpu.memory_space<hbm>>
        %dma_wait3A_379 = tpu.memref_squeeze %dma_wait3A_378 : memref<1x8x1024xf32, #tpu.memory_space<hbm>> -> memref<8x1024xf32, #tpu.memory_space<hbm>>
        tpu.wait_dma2 semaphore(%arg23 : memref<!tpu.dma_semaphore, #tpu.memory_space<semaphore_mem>>) src(%arg7 : memref<8x1024xf32, #tpu.memory_space<vmem>>) dst(%dma_wait3A_379 : memref<8x1024xf32, #tpu.memory_space<hbm>>)
      } else {
      }
      %ge3A_221 = arith.constant 2 : i32
      %ge3A_222 = arith.cmpi sge, %add3A_197, %ge3A_221 : i32
      %lt3A_223 = arith.constant 58 : i32
      %lt3A_224 = arith.cmpi slt, %add3A_197, %lt3A_223 : i32
      %and3A_225 = arith.andi %ge3A_222, %lt3A_224 : i1
      %convert_element_type3A_226 = arith.extui %and3A_225 : i1 to i32
      %cond3A_227 = arith.constant 0 : i32
      %cond3A_228 = arith.cmpi ne, %convert_element_type3A_226, %cond3A_227 : i32
      scf.if %cond3A_228 {
        %add3A_369 = arith.constant 8 : i32
        %add3A_370 = arith.addi %add3A_197, %add3A_369 : i32
        %sub3A_371 = arith.constant 2 : i32
        %sub3A_372 = arith.subi %add3A_370, %sub3A_371 : i32
        %mul3A_373 = arith.constant 8 : i32
        %mul3A_374 = arith.muli %sub3A_372, %mul3A_373 : i32
        %dma_start3A_375 = tpu.memref_slice %arg5[%mul3A_374] : memref<512xi32, #tpu.memory_space<vmem>> -> memref<8xi32, #tpu.memory_space<vmem>>
        %dma_start3A_376 = arith.constant 0 : i32
        %dma_start3A_377 = arith.constant 0 : i32
        %dma_start3A_378 = tpu.memref_slice %arg2[%dma_start3A_376, %dma_start3A_377] : memref<100000x1024xf32, #tpu.memory_space<hbm>> -> memref<100000x1024xf32, #tpu.memory_space<hbm>>
        tpu.enqueue_indirect_dma source(%dma_start3A_378 : memref<100000x1024xf32, #tpu.memory_space<hbm>>) target(%arg7 : memref<8x1024xf32, #tpu.memory_space<vmem>>) offsets(%dma_start3A_375 : memref<8xi32, #tpu.memory_space<vmem>>) semaphore(%arg15 : memref<!tpu.dma_semaphore, #tpu.memory_space<semaphore_mem>>)
      } else {
      }
      %mul3A_229 = arith.constant 8 : i32
      %mul3A_230 = arith.muli %scan3A_92, %mul3A_229 : i32
      %add3A_231 = arith.constant 4 : i32
      %add3A_232 = arith.addi %mul3A_230, %add3A_231 : i32
      %mul3A_233 = arith.constant 8 : i32
      %mul3A_234 = arith.muli %add3A_232, %mul3A_233 : i32
      %dma_wait3A_235 = tpu.memref_slice %arg5[%mul3A_234] : memref<512xi32, #tpu.memory_space<vmem>> -> memref<8xi32, #tpu.memory_space<vmem>>
      %dma_wait3A_236 = arith.constant 0 : i32
      %dma_wait3A_237 = arith.constant 0 : i32
      %dma_wait3A_238 = tpu.memref_slice %arg2[%dma_wait3A_236, %dma_wait3A_237] : memref<100000x1024xf32, #tpu.memory_space<hbm>> -> memref<100000x1024xf32, #tpu.memory_space<hbm>>
      tpu.wait_indirect_dma semaphore(%arg18 : memref<!tpu.dma_semaphore, #tpu.memory_space<semaphore_mem>>) src(%dma_wait3A_238 : memref<100000x1024xf32, #tpu.memory_space<hbm>>) dst(%arg10 : memref<8x1024xf32, #tpu.memory_space<vmem>>)
      %parallel_loop3A_239 = arith.constant 0 : i32
      %parallel_loop3A_240 = arith.constant 8192 : i32
      %parallel_loop3A_241 = arith.constant 16 : i32
      scf.for %parallel_loop3A_369 = %parallel_loop3A_239 to %parallel_loop3A_240 step %parallel_loop3A_241  : i32 {
        %parallel_loop3A_370 = arith.constant 10 : i32
        %parallel_loop3A_371 = arith.shrsi %parallel_loop3A_369, %parallel_loop3A_370 : i32
        %parallel_loop3A_372 = arith.constant 1023 : i32
        %parallel_loop3A_373 = arith.andi %parallel_loop3A_369, %parallel_loop3A_372 : i32
        %parallel_loop3A_374 = tpu.assume_multiple %parallel_loop3A_373, 16 : i32
        %parallel_loop3A_375 = arith.index_cast %parallel_loop3A_371 : i32 to index
        %parallel_loop3A_376 = arith.index_cast %parallel_loop3A_374 : i32 to index
        %parallel_loop3A_377 = tpu.vector_load %arg10[%parallel_loop3A_375, %parallel_loop3A_376] {strides = array<i32>} : memref<8x1024xf32, #tpu.memory_space<vmem>>, vector<1x16xf32>,
        %parallel_loop3A_378 = vector.shape_cast %parallel_loop3A_377 : vector<1x16xf32> to vector<16xf32>
        %parallel_loop3A_379 = arith.constant 3.200000e+01 : f32
        %parallel_loop3A_380 = vector.broadcast %parallel_loop3A_379 : f32 to vector<16xf32>
        %parallel_loop3A_381 = arith.mulf %parallel_loop3A_378, %parallel_loop3A_380 : vector<16xf32>
        %parallel_loop3A_382 = arith.index_cast %parallel_loop3A_371 : i32 to index
        %parallel_loop3A_383 = arith.index_cast %parallel_loop3A_374 : i32 to index
        %parallel_loop3A_384 = tpu.vector_load %arg10[%parallel_loop3A_382, %parallel_loop3A_383] {strides = array<i32>} : memref<8x1024xf32, #tpu.memory_space<vmem>>, vector<1x16xf32>,
        %parallel_loop3A_385 = vector.shape_cast %parallel_loop3A_384 : vector<1x16xf32> to vector<16xf32>
        %parallel_loop3A_386 = vector.shape_cast %parallel_loop3A_381 : vector<16xf32> to vector<1x16xf32>
        tpu.vector_store %arg10[%parallel_loop3A_382, %parallel_loop3A_383], %parallel_loop3A_386 {strides = array<i32>} : memref<8x1024xf32, #tpu.memory_space<vmem>>, vector<1x16xf32>,
      } {sc.loop_unroll_factor = 8 : i64, sc.parallel_access}
      %mul3A_242 = arith.constant 8 : i32
      %mul3A_243 = arith.muli %add3A_232, %mul3A_242 : i32
      %add3A_244 = arith.addi %mul3A_32, %mul3A_243 : i32
      %dma_start3A_245 = arith.constant 0 : i32
      %dma_start3A_246 = tpu.memref_slice %arg4[%select_n3A, %add3A_244, %dma_start3A_245] : memref<4x4096x1024xf32, #tpu.memory_space<hbm>> -> memref<1x8x1024xf32, #tpu.memory_space<hbm>>
      %dma_start3A_247 = tpu.memref_squeeze %dma_start3A_246 : memref<1x8x1024xf32, #tpu.memory_space<hbm>> -> memref<8x1024xf32, #tpu.memory_space<hbm>>
      %dma_start3A_248 = arith.constant 0 : i32
      %dma_start3A_249 = tpu.memref_slice %arg4[%select_n3A, %add3A_244, %dma_start3A_248] : memref<4x4096x1024xf32, #tpu.memory_space<hbm>> -> memref<1x8x1024xf32, #tpu.memory_space<hbm>>
      %dma_start3A_250 = tpu.memref_squeeze %dma_start3A_249 : memref<1x8x1024xf32, #tpu.memory_space<hbm>> -> memref<8x1024xf32, #tpu.memory_space<hbm>>
      tpu.enqueue_dma source(%arg10 : memref<8x1024xf32, #tpu.memory_space<vmem>>) target(%dma_start3A_250 : memref<8x1024xf32, #tpu.memory_space<hbm>>) target_semaphore(%arg26 : memref<!tpu.dma_semaphore, #tpu.memory_space<semaphore_mem>>)
      %ge3A_251 = arith.constant 2 : i32
      %ge3A_252 = arith.cmpi sge, %add3A_232, %ge3A_251 : i32
      %convert_element_type3A_253 = arith.extui %ge3A_252 : i1 to i32
      %cond3A_254 = arith.constant 0 : i32
      %cond3A_255 = arith.cmpi ne, %convert_element_type3A_253, %cond3A_254 : i32
      scf.if %cond3A_255 {
        %sub3A_369 = arith.constant 2 : i32
        %sub3A_370 = arith.subi %add3A_232, %sub3A_369 : i32
        %mul3A_371 = arith.constant 8 : i32
        %mul3A_372 = arith.muli %sub3A_370, %mul3A_371 : i32
        %add3A_373 = arith.addi %mul3A_32, %mul3A_372 : i32
        %dma_wait3A_374 = arith.constant 0 : i32
        %dma_wait3A_375 = tpu.memref_slice %arg4[%select_n3A, %add3A_373, %dma_wait3A_374] : memref<4x4096x1024xf32, #tpu.memory_space<hbm>> -> memref<1x8x1024xf32, #tpu.memory_space<hbm>>
        %dma_wait3A_376 = tpu.memref_squeeze %dma_wait3A_375 : memref<1x8x1024xf32, #tpu.memory_space<hbm>> -> memref<8x1024xf32, #tpu.memory_space<hbm>>
        %dma_wait3A_377 = arith.constant 0 : i32
        %dma_wait3A_378 = tpu.memref_slice %arg4[%select_n3A, %add3A_373, %dma_wait3A_377] : memref<4x4096x1024xf32, #tpu.memory_space<hbm>> -> memref<1x8x1024xf32, #tpu.memory_space<hbm>>
        %dma_wait3A_379 = tpu.memref_squeeze %dma_wait3A_378 : memref<1x8x1024xf32, #tpu.memory_space<hbm>> -> memref<8x1024xf32, #tpu.memory_space<hbm>>
        tpu.wait_dma2 semaphore(%arg24 : memref<!tpu.dma_semaphore, #tpu.memory_space<semaphore_mem>>) src(%arg8 : memref<8x1024xf32, #tpu.memory_space<vmem>>) dst(%dma_wait3A_379 : memref<8x1024xf32, #tpu.memory_space<hbm>>)
      } else {
      }
      %ge3A_256 = arith.constant 2 : i32
      %ge3A_257 = arith.cmpi sge, %add3A_232, %ge3A_256 : i32
      %lt3A_258 = arith.constant 58 : i32
      %lt3A_259 = arith.cmpi slt, %add3A_232, %lt3A_258 : i32
      %and3A_260 = arith.andi %ge3A_257, %lt3A_259 : i1
      %convert_element_type3A_261 = arith.extui %and3A_260 : i1 to i32
      %cond3A_262 = arith.constant 0 : i32
      %cond3A_263 = arith.cmpi ne, %convert_element_type3A_261, %cond3A_262 : i32
      scf.if %cond3A_263 {
        %add3A_369 = arith.constant 8 : i32
        %add3A_370 = arith.addi %add3A_232, %add3A_369 : i32
        %sub3A_371 = arith.constant 2 : i32
        %sub3A_372 = arith.subi %add3A_370, %sub3A_371 : i32
        %mul3A_373 = arith.constant 8 : i32
        %mul3A_374 = arith.muli %sub3A_372, %mul3A_373 : i32
        %dma_start3A_375 = tpu.memref_slice %arg5[%mul3A_374] : memref<512xi32, #tpu.memory_space<vmem>> -> memref<8xi32, #tpu.memory_space<vmem>>
        %dma_start3A_376 = arith.constant 0 : i32
        %dma_start3A_377 = arith.constant 0 : i32
        %dma_start3A_378 = tpu.memref_slice %arg2[%dma_start3A_376, %dma_start3A_377] : memref<100000x1024xf32, #tpu.memory_space<hbm>> -> memref<100000x1024xf32, #tpu.memory_space<hbm>>
        tpu.enqueue_indirect_dma source(%dma_start3A_378 : memref<100000x1024xf32, #tpu.memory_space<hbm>>) target(%arg8 : memref<8x1024xf32, #tpu.memory_space<vmem>>) offsets(%dma_start3A_375 : memref<8xi32, #tpu.memory_space<vmem>>) semaphore(%arg16 : memref<!tpu.dma_semaphore, #tpu.memory_space<semaphore_mem>>)
      } else {
      }
      %mul3A_264 = arith.constant 8 : i32
      %mul3A_265 = arith.muli %scan3A_92, %mul3A_264 : i32
      %add3A_266 = arith.constant 5 : i32
      %add3A_267 = arith.addi %mul3A_265, %add3A_266 : i32
      %mul3A_268 = arith.constant 8 : i32
      %mul3A_269 = arith.muli %add3A_267, %mul3A_268 : i32
      %dma_wait3A_270 = tpu.memref_slice %arg5[%mul3A_269] : memref<512xi32, #tpu.memory_space<vmem>> -> memref<8xi32, #tpu.memory_space<vmem>>
      %dma_wait3A_271 = arith.constant 0 : i32
      %dma_wait3A_272 = arith.constant 0 : i32
      %dma_wait3A_273 = tpu.memref_slice %arg2[%dma_wait3A_271, %dma_wait3A_272] : memref<100000x1024xf32, #tpu.memory_space<hbm>> -> memref<100000x1024xf32, #tpu.memory_space<hbm>>
      tpu.wait_indirect_dma semaphore(%arg19 : memref<!tpu.dma_semaphore, #tpu.memory_space<semaphore_mem>>) src(%dma_wait3A_273 : memref<100000x1024xf32, #tpu.memory_space<hbm>>) dst(%arg11 : memref<8x1024xf32, #tpu.memory_space<vmem>>)
      %parallel_loop3A_274 = arith.constant 0 : i32
      %parallel_loop3A_275 = arith.constant 8192 : i32
      %parallel_loop3A_276 = arith.constant 16 : i32
      scf.for %parallel_loop3A_369 = %parallel_loop3A_274 to %parallel_loop3A_275 step %parallel_loop3A_276  : i32 {
        %parallel_loop3A_370 = arith.constant 10 : i32
        %parallel_loop3A_371 = arith.shrsi %parallel_loop3A_369, %parallel_loop3A_370 : i32
        %parallel_loop3A_372 = arith.constant 1023 : i32
        %parallel_loop3A_373 = arith.andi %parallel_loop3A_369, %parallel_loop3A_372 : i32
        %parallel_loop3A_374 = tpu.assume_multiple %parallel_loop3A_373, 16 : i32
        %parallel_loop3A_375 = arith.index_cast %parallel_loop3A_371 : i32 to index
        %parallel_loop3A_376 = arith.index_cast %parallel_loop3A_374 : i32 to index
        %parallel_loop3A_377 = tpu.vector_load %arg11[%parallel_loop3A_375, %parallel_loop3A_376] {strides = array<i32>} : memref<8x1024xf32, #tpu.memory_space<vmem>>, vector<1x16xf32>,
        %parallel_loop3A_378 = vector.shape_cast %parallel_loop3A_377 : vector<1x16xf32> to vector<16xf32>
        %parallel_loop3A_379 = arith.constant 3.200000e+01 : f32
        %parallel_loop3A_380 = vector.broadcast %parallel_loop3A_379 : f32 to vector<16xf32>
        %parallel_loop3A_381 = arith.mulf %parallel_loop3A_378, %parallel_loop3A_380 : vector<16xf32>
        %parallel_loop3A_382 = arith.index_cast %parallel_loop3A_371 : i32 to index
        %parallel_loop3A_383 = arith.index_cast %parallel_loop3A_374 : i32 to index
        %parallel_loop3A_384 = tpu.vector_load %arg11[%parallel_loop3A_382, %parallel_loop3A_383] {strides = array<i32>} : memref<8x1024xf32, #tpu.memory_space<vmem>>, vector<1x16xf32>,
        %parallel_loop3A_385 = vector.shape_cast %parallel_loop3A_384 : vector<1x16xf32> to vector<16xf32>
        %parallel_loop3A_386 = vector.shape_cast %parallel_loop3A_381 : vector<16xf32> to vector<1x16xf32>
        tpu.vector_store %arg11[%parallel_loop3A_382, %parallel_loop3A_383], %parallel_loop3A_386 {strides = array<i32>} : memref<8x1024xf32, #tpu.memory_space<vmem>>, vector<1x16xf32>,
      } {sc.loop_unroll_factor = 8 : i64, sc.parallel_access}
      %mul3A_277 = arith.constant 8 : i32
      %mul3A_278 = arith.muli %add3A_267, %mul3A_277 : i32
      %add3A_279 = arith.addi %mul3A_32, %mul3A_278 : i32
      %dma_start3A_280 = arith.constant 0 : i32
      %dma_start3A_281 = tpu.memref_slice %arg4[%select_n3A, %add3A_279, %dma_start3A_280] : memref<4x4096x1024xf32, #tpu.memory_space<hbm>> -> memref<1x8x1024xf32, #tpu.memory_space<hbm>>
      %dma_start3A_282 = tpu.memref_squeeze %dma_start3A_281 : memref<1x8x1024xf32, #tpu.memory_space<hbm>> -> memref<8x1024xf32, #tpu.memory_space<hbm>>
      %dma_start3A_283 = arith.constant 0 : i32
      %dma_start3A_284 = tpu.memref_slice %arg4[%select_n3A, %add3A_279, %dma_start3A_283] : memref<4x4096x1024xf32, #tpu.memory_space<hbm>> -> memref<1x8x1024xf32, #tpu.memory_space<hbm>>
      %dma_start3A_285 = tpu.memref_squeeze %dma_start3A_284 : memref<1x8x1024xf32, #tpu.memory_space<hbm>> -> memref<8x1024xf32, #tpu.memory_space<hbm>>
      tpu.enqueue_dma source(%arg11 : memref<8x1024xf32, #tpu.memory_space<vmem>>) target(%dma_start3A_285 : memref<8x1024xf32, #tpu.memory_space<hbm>>) target_semaphore(%arg27 : memref<!tpu.dma_semaphore, #tpu.memory_space<semaphore_mem>>)
      %ge3A_286 = arith.constant 2 : i32
      %ge3A_287 = arith.cmpi sge, %add3A_267, %ge3A_286 : i32
      %convert_element_type3A_288 = arith.extui %ge3A_287 : i1 to i32
      %cond3A_289 = arith.constant 0 : i32
      %cond3A_290 = arith.cmpi ne, %convert_element_type3A_288, %cond3A_289 : i32
      scf.if %cond3A_290 {
        %sub3A_369 = arith.constant 2 : i32
        %sub3A_370 = arith.subi %add3A_267, %sub3A_369 : i32
        %mul3A_371 = arith.constant 8 : i32
        %mul3A_372 = arith.muli %sub3A_370, %mul3A_371 : i32
        %add3A_373 = arith.addi %mul3A_32, %mul3A_372 : i32
        %dma_wait3A_374 = arith.constant 0 : i32
        %dma_wait3A_375 = tpu.memref_slice %arg4[%select_n3A, %add3A_373, %dma_wait3A_374] : memref<4x4096x1024xf32, #tpu.memory_space<hbm>> -> memref<1x8x1024xf32, #tpu.memory_space<hbm>>
        %dma_wait3A_376 = tpu.memref_squeeze %dma_wait3A_375 : memref<1x8x1024xf32, #tpu.memory_space<hbm>> -> memref<8x1024xf32, #tpu.memory_space<hbm>>
        %dma_wait3A_377 = arith.constant 0 : i32
        %dma_wait3A_378 = tpu.memref_slice %arg4[%select_n3A, %add3A_373, %dma_wait3A_377] : memref<4x4096x1024xf32, #tpu.memory_space<hbm>> -> memref<1x8x1024xf32, #tpu.memory_space<hbm>>
        %dma_wait3A_379 = tpu.memref_squeeze %dma_wait3A_378 : memref<1x8x1024xf32, #tpu.memory_space<hbm>> -> memref<8x1024xf32, #tpu.memory_space<hbm>>
        tpu.wait_dma2 semaphore(%arg25 : memref<!tpu.dma_semaphore, #tpu.memory_space<semaphore_mem>>) src(%arg9 : memref<8x1024xf32, #tpu.memory_space<vmem>>) dst(%dma_wait3A_379 : memref<8x1024xf32, #tpu.memory_space<hbm>>)
      } else {
      }
      %ge3A_291 = arith.constant 2 : i32
      %ge3A_292 = arith.cmpi sge, %add3A_267, %ge3A_291 : i32
      %lt3A_293 = arith.constant 58 : i32
      %lt3A_294 = arith.cmpi slt, %add3A_267, %lt3A_293 : i32
      %and3A_295 = arith.andi %ge3A_292, %lt3A_294 : i1
      %convert_element_type3A_296 = arith.extui %and3A_295 : i1 to i32
      %cond3A_297 = arith.constant 0 : i32
      %cond3A_298 = arith.cmpi ne, %convert_element_type3A_296, %cond3A_297 : i32
      scf.if %cond3A_298 {
        %add3A_369 = arith.constant 8 : i32
        %add3A_370 = arith.addi %add3A_267, %add3A_369 : i32
        %sub3A_371 = arith.constant 2 : i32
        %sub3A_372 = arith.subi %add3A_370, %sub3A_371 : i32
        %mul3A_373 = arith.constant 8 : i32
        %mul3A_374 = arith.muli %sub3A_372, %mul3A_373 : i32
        %dma_start3A_375 = tpu.memref_slice %arg5[%mul3A_374] : memref<512xi32, #tpu.memory_space<vmem>> -> memref<8xi32, #tpu.memory_space<vmem>>
        %dma_start3A_376 = arith.constant 0 : i32
        %dma_start3A_377 = arith.constant 0 : i32
        %dma_start3A_378 = tpu.memref_slice %arg2[%dma_start3A_376, %dma_start3A_377] : memref<100000x1024xf32, #tpu.memory_space<hbm>> -> memref<100000x1024xf32, #tpu.memory_space<hbm>>
        tpu.enqueue_indirect_dma source(%dma_start3A_378 : memref<100000x1024xf32, #tpu.memory_space<hbm>>) target(%arg9 : memref<8x1024xf32, #tpu.memory_space<vmem>>) offsets(%dma_start3A_375 : memref<8xi32, #tpu.memory_space<vmem>>) semaphore(%arg17 : memref<!tpu.dma_semaphore, #tpu.memory_space<semaphore_mem>>)
      } else {
      }
      %mul3A_299 = arith.constant 8 : i32
      %mul3A_300 = arith.muli %scan3A_92, %mul3A_299 : i32
      %add3A_301 = arith.constant 6 : i32
      %add3A_302 = arith.addi %mul3A_300, %add3A_301 : i32
      %mul3A_303 = arith.constant 8 : i32
      %mul3A_304 = arith.muli %add3A_302, %mul3A_303 : i32
      %dma_wait3A_305 = tpu.memref_slice %arg5[%mul3A_304] : memref<512xi32, #tpu.memory_space<vmem>> -> memref<8xi32, #tpu.memory_space<vmem>>
      %dma_wait3A_306 = arith.constant 0 : i32
      %dma_wait3A_307 = arith.constant 0 : i32
      %dma_wait3A_308 = tpu.memref_slice %arg2[%dma_wait3A_306, %dma_wait3A_307] : memref<100000x1024xf32, #tpu.memory_space<hbm>> -> memref<100000x1024xf32, #tpu.memory_space<hbm>>
      tpu.wait_indirect_dma semaphore(%arg20 : memref<!tpu.dma_semaphore, #tpu.memory_space<semaphore_mem>>) src(%dma_wait3A_308 : memref<100000x1024xf32, #tpu.memory_space<hbm>>) dst(%arg12 : memref<8x1024xf32, #tpu.memory_space<vmem>>)
      %parallel_loop3A_309 = arith.constant 0 : i32
      %parallel_loop3A_310 = arith.constant 8192 : i32
      %parallel_loop3A_311 = arith.constant 16 : i32
      scf.for %parallel_loop3A_369 = %parallel_loop3A_309 to %parallel_loop3A_310 step %parallel_loop3A_311  : i32 {
        %parallel_loop3A_370 = arith.constant 10 : i32
        %parallel_loop3A_371 = arith.shrsi %parallel_loop3A_369, %parallel_loop3A_370 : i32
        %parallel_loop3A_372 = arith.constant 1023 : i32
        %parallel_loop3A_373 = arith.andi %parallel_loop3A_369, %parallel_loop3A_372 : i32
        %parallel_loop3A_374 = tpu.assume_multiple %parallel_loop3A_373, 16 : i32
        %parallel_loop3A_375 = arith.index_cast %parallel_loop3A_371 : i32 to index
        %parallel_loop3A_376 = arith.index_cast %parallel_loop3A_374 : i32 to index
        %parallel_loop3A_377 = tpu.vector_load %arg12[%parallel_loop3A_375, %parallel_loop3A_376] {strides = array<i32>} : memref<8x1024xf32, #tpu.memory_space<vmem>>, vector<1x16xf32>,
        %parallel_loop3A_378 = vector.shape_cast %parallel_loop3A_377 : vector<1x16xf32> to vector<16xf32>
        %parallel_loop3A_379 = arith.constant 3.200000e+01 : f32
        %parallel_loop3A_380 = vector.broadcast %parallel_loop3A_379 : f32 to vector<16xf32>
        %parallel_loop3A_381 = arith.mulf %parallel_loop3A_378, %parallel_loop3A_380 : vector<16xf32>
        %parallel_loop3A_382 = arith.index_cast %parallel_loop3A_371 : i32 to index
        %parallel_loop3A_383 = arith.index_cast %parallel_loop3A_374 : i32 to index
        %parallel_loop3A_384 = tpu.vector_load %arg12[%parallel_loop3A_382, %parallel_loop3A_383] {strides = array<i32>} : memref<8x1024xf32, #tpu.memory_space<vmem>>, vector<1x16xf32>,
        %parallel_loop3A_385 = vector.shape_cast %parallel_loop3A_384 : vector<1x16xf32> to vector<16xf32>
        %parallel_loop3A_386 = vector.shape_cast %parallel_loop3A_381 : vector<16xf32> to vector<1x16xf32>
        tpu.vector_store %arg12[%parallel_loop3A_382, %parallel_loop3A_383], %parallel_loop3A_386 {strides = array<i32>} : memref<8x1024xf32, #tpu.memory_space<vmem>>, vector<1x16xf32>,
      } {sc.loop_unroll_factor = 8 : i64, sc.parallel_access}
      %mul3A_312 = arith.constant 8 : i32
      %mul3A_313 = arith.muli %add3A_302, %mul3A_312 : i32
      %add3A_314 = arith.addi %mul3A_32, %mul3A_313 : i32
      %dma_start3A_315 = arith.constant 0 : i32
      %dma_start3A_316 = tpu.memref_slice %arg4[%select_n3A, %add3A_314, %dma_start3A_315] : memref<4x4096x1024xf32, #tpu.memory_space<hbm>> -> memref<1x8x1024xf32, #tpu.memory_space<hbm>>
      %dma_start3A_317 = tpu.memref_squeeze %dma_start3A_316 : memref<1x8x1024xf32, #tpu.memory_space<hbm>> -> memref<8x1024xf32, #tpu.memory_space<hbm>>
      %dma_start3A_318 = arith.constant 0 : i32
      %dma_start3A_319 = tpu.memref_slice %arg4[%select_n3A, %add3A_314, %dma_start3A_318] : memref<4x4096x1024xf32, #tpu.memory_space<hbm>> -> memref<1x8x1024xf32, #tpu.memory_space<hbm>>
      %dma_start3A_320 = tpu.memref_squeeze %dma_start3A_319 : memref<1x8x1024xf32, #tpu.memory_space<hbm>> -> memref<8x1024xf32, #tpu.memory_space<hbm>>
      tpu.enqueue_dma source(%arg12 : memref<8x1024xf32, #tpu.memory_space<vmem>>) target(%dma_start3A_320 : memref<8x1024xf32, #tpu.memory_space<hbm>>) target_semaphore(%arg28 : memref<!tpu.dma_semaphore, #tpu.memory_space<semaphore_mem>>)
      %ge3A_321 = arith.constant 2 : i32
      %ge3A_322 = arith.cmpi sge, %add3A_302, %ge3A_321 : i32
      %convert_element_type3A_323 = arith.extui %ge3A_322 : i1 to i32
      %cond3A_324 = arith.constant 0 : i32
      %cond3A_325 = arith.cmpi ne, %convert_element_type3A_323, %cond3A_324 : i32
      scf.if %cond3A_325 {
        %sub3A_369 = arith.constant 2 : i32
        %sub3A_370 = arith.subi %add3A_302, %sub3A_369 : i32
        %mul3A_371 = arith.constant 8 : i32
        %mul3A_372 = arith.muli %sub3A_370, %mul3A_371 : i32
        %add3A_373 = arith.addi %mul3A_32, %mul3A_372 : i32
        %dma_wait3A_374 = arith.constant 0 : i32
        %dma_wait3A_375 = tpu.memref_slice %arg4[%select_n3A, %add3A_373, %dma_wait3A_374] : memref<4x4096x1024xf32, #tpu.memory_space<hbm>> -> memref<1x8x1024xf32, #tpu.memory_space<hbm>>
        %dma_wait3A_376 = tpu.memref_squeeze %dma_wait3A_375 : memref<1x8x1024xf32, #tpu.memory_space<hbm>> -> memref<8x1024xf32, #tpu.memory_space<hbm>>
        %dma_wait3A_377 = arith.constant 0 : i32
        %dma_wait3A_378 = tpu.memref_slice %arg4[%select_n3A, %add3A_373, %dma_wait3A_377] : memref<4x4096x1024xf32, #tpu.memory_space<hbm>> -> memref<1x8x1024xf32, #tpu.memory_space<hbm>>
        %dma_wait3A_379 = tpu.memref_squeeze %dma_wait3A_378 : memref<1x8x1024xf32, #tpu.memory_space<hbm>> -> memref<8x1024xf32, #tpu.memory_space<hbm>>
        tpu.wait_dma2 semaphore(%arg26 : memref<!tpu.dma_semaphore, #tpu.memory_space<semaphore_mem>>) src(%arg10 : memref<8x1024xf32, #tpu.memory_space<vmem>>) dst(%dma_wait3A_379 : memref<8x1024xf32, #tpu.memory_space<hbm>>)
      } else {
      }
      %ge3A_326 = arith.constant 2 : i32
      %ge3A_327 = arith.cmpi sge, %add3A_302, %ge3A_326 : i32
      %lt3A_328 = arith.constant 58 : i32
      %lt3A_329 = arith.cmpi slt, %add3A_302, %lt3A_328 : i32
      %and3A_330 = arith.andi %ge3A_327, %lt3A_329 : i1
      %convert_element_type3A_331 = arith.extui %and3A_330 : i1 to i32
      %cond3A_332 = arith.constant 0 : i32
      %cond3A_333 = arith.cmpi ne, %convert_element_type3A_331, %cond3A_332 : i32
      scf.if %cond3A_333 {
        %add3A_369 = arith.constant 8 : i32
        %add3A_370 = arith.addi %add3A_302, %add3A_369 : i32
        %sub3A_371 = arith.constant 2 : i32
        %sub3A_372 = arith.subi %add3A_370, %sub3A_371 : i32
        %mul3A_373 = arith.constant 8 : i32
        %mul3A_374 = arith.muli %sub3A_372, %mul3A_373 : i32
        %dma_start3A_375 = tpu.memref_slice %arg5[%mul3A_374] : memref<512xi32, #tpu.memory_space<vmem>> -> memref<8xi32, #tpu.memory_space<vmem>>
        %dma_start3A_376 = arith.constant 0 : i32
        %dma_start3A_377 = arith.constant 0 : i32
        %dma_start3A_378 = tpu.memref_slice %arg2[%dma_start3A_376, %dma_start3A_377] : memref<100000x1024xf32, #tpu.memory_space<hbm>> -> memref<100000x1024xf32, #tpu.memory_space<hbm>>
        tpu.enqueue_indirect_dma source(%dma_start3A_378 : memref<100000x1024xf32, #tpu.memory_space<hbm>>) target(%arg10 : memref<8x1024xf32, #tpu.memory_space<vmem>>) offsets(%dma_start3A_375 : memref<8xi32, #tpu.memory_space<vmem>>) semaphore(%arg18 : memref<!tpu.dma_semaphore, #tpu.memory_space<semaphore_mem>>)
      } else {
      }
      %mul3A_334 = arith.constant 8 : i32
      %mul3A_335 = arith.muli %scan3A_92, %mul3A_334 : i32
      %add3A_336 = arith.constant 7 : i32
      %add3A_337 = arith.addi %mul3A_335, %add3A_336 : i32
      %mul3A_338 = arith.constant 8 : i32
      %mul3A_339 = arith.muli %add3A_337, %mul3A_338 : i32
      %dma_wait3A_340 = tpu.memref_slice %arg5[%mul3A_339] : memref<512xi32, #tpu.memory_space<vmem>> -> memref<8xi32, #tpu.memory_space<vmem>>
      %dma_wait3A_341 = arith.constant 0 : i32
      %dma_wait3A_342 = arith.constant 0 : i32
      %dma_wait3A_343 = tpu.memref_slice %arg2[%dma_wait3A_341, %dma_wait3A_342] : memref<100000x1024xf32, #tpu.memory_space<hbm>> -> memref<100000x1024xf32, #tpu.memory_space<hbm>>
      tpu.wait_indirect_dma semaphore(%arg21 : memref<!tpu.dma_semaphore, #tpu.memory_space<semaphore_mem>>) src(%dma_wait3A_343 : memref<100000x1024xf32, #tpu.memory_space<hbm>>) dst(%arg13 : memref<8x1024xf32, #tpu.memory_space<vmem>>)
      %parallel_loop3A_344 = arith.constant 0 : i32
      %parallel_loop3A_345 = arith.constant 8192 : i32
      %parallel_loop3A_346 = arith.constant 16 : i32
      scf.for %parallel_loop3A_369 = %parallel_loop3A_344 to %parallel_loop3A_345 step %parallel_loop3A_346  : i32 {
        %parallel_loop3A_370 = arith.constant 10 : i32
        %parallel_loop3A_371 = arith.shrsi %parallel_loop3A_369, %parallel_loop3A_370 : i32
        %parallel_loop3A_372 = arith.constant 1023 : i32
        %parallel_loop3A_373 = arith.andi %parallel_loop3A_369, %parallel_loop3A_372 : i32
        %parallel_loop3A_374 = tpu.assume_multiple %parallel_loop3A_373, 16 : i32
        %parallel_loop3A_375 = arith.index_cast %parallel_loop3A_371 : i32 to index
        %parallel_loop3A_376 = arith.index_cast %parallel_loop3A_374 : i32 to index
        %parallel_loop3A_377 = tpu.vector_load %arg13[%parallel_loop3A_375, %parallel_loop3A_376] {strides = array<i32>} : memref<8x1024xf32, #tpu.memory_space<vmem>>, vector<1x16xf32>,
        %parallel_loop3A_378 = vector.shape_cast %parallel_loop3A_377 : vector<1x16xf32> to vector<16xf32>
        %parallel_loop3A_379 = arith.constant 3.200000e+01 : f32
        %parallel_loop3A_380 = vector.broadcast %parallel_loop3A_379 : f32 to vector<16xf32>
        %parallel_loop3A_381 = arith.mulf %parallel_loop3A_378, %parallel_loop3A_380 : vector<16xf32>
        %parallel_loop3A_382 = arith.index_cast %parallel_loop3A_371 : i32 to index
        %parallel_loop3A_383 = arith.index_cast %parallel_loop3A_374 : i32 to index
        %parallel_loop3A_384 = tpu.vector_load %arg13[%parallel_loop3A_382, %parallel_loop3A_383] {strides = array<i32>} : memref<8x1024xf32, #tpu.memory_space<vmem>>, vector<1x16xf32>,
        %parallel_loop3A_385 = vector.shape_cast %parallel_loop3A_384 : vector<1x16xf32> to vector<16xf32>
        %parallel_loop3A_386 = vector.shape_cast %parallel_loop3A_381 : vector<16xf32> to vector<1x16xf32>
        tpu.vector_store %arg13[%parallel_loop3A_382, %parallel_loop3A_383], %parallel_loop3A_386 {strides = array<i32>} : memref<8x1024xf32, #tpu.memory_space<vmem>>, vector<1x16xf32>,
      } {sc.loop_unroll_factor = 8 : i64, sc.parallel_access}
      %mul3A_347 = arith.constant 8 : i32
      %mul3A_348 = arith.muli %add3A_337, %mul3A_347 : i32
      %add3A_349 = arith.addi %mul3A_32, %mul3A_348 : i32
      %dma_start3A_350 = arith.constant 0 : i32
      %dma_start3A_351 = tpu.memref_slice %arg4[%select_n3A, %add3A_349, %dma_start3A_350] : memref<4x4096x1024xf32, #tpu.memory_space<hbm>> -> memref<1x8x1024xf32, #tpu.memory_space<hbm>>
      %dma_start3A_352 = tpu.memref_squeeze %dma_start3A_351 : memref<1x8x1024xf32, #tpu.memory_space<hbm>> -> memref<8x1024xf32, #tpu.memory_space<hbm>>
      %dma_start3A_353 = arith.constant 0 : i32
      %dma_start3A_354 = tpu.memref_slice %arg4[%select_n3A, %add3A_349, %dma_start3A_353] : memref<4x4096x1024xf32, #tpu.memory_space<hbm>> -> memref<1x8x1024xf32, #tpu.memory_space<hbm>>
      %dma_start3A_355 = tpu.memref_squeeze %dma_start3A_354 : memref<1x8x1024xf32, #tpu.memory_space<hbm>> -> memref<8x1024xf32, #tpu.memory_space<hbm>>
      tpu.enqueue_dma source(%arg13 : memref<8x1024xf32, #tpu.memory_space<vmem>>) target(%dma_start3A_355 : memref<8x1024xf32, #tpu.memory_space<hbm>>) target_semaphore(%arg29 : memref<!tpu.dma_semaphore, #tpu.memory_space<semaphore_mem>>)
      %ge3A_356 = arith.constant 2 : i32
      %ge3A_357 = arith.cmpi sge, %add3A_337, %ge3A_356 : i32
      %convert_element_type3A_358 = arith.extui %ge3A_357 : i1 to i32
      %cond3A_359 = arith.constant 0 : i32
      %cond3A_360 = arith.cmpi ne, %convert_element_type3A_358, %cond3A_359 : i32
      scf.if %cond3A_360 {
        %sub3A_369 = arith.constant 2 : i32
        %sub3A_370 = arith.subi %add3A_337, %sub3A_369 : i32
        %mul3A_371 = arith.constant 8 : i32
        %mul3A_372 = arith.muli %sub3A_370, %mul3A_371 : i32
        %add3A_373 = arith.addi %mul3A_32, %mul3A_372 : i32
        %dma_wait3A_374 = arith.constant 0 : i32
        %dma_wait3A_375 = tpu.memref_slice %arg4[%select_n3A, %add3A_373, %dma_wait3A_374] : memref<4x4096x1024xf32, #tpu.memory_space<hbm>> -> memref<1x8x1024xf32, #tpu.memory_space<hbm>>
        %dma_wait3A_376 = tpu.memref_squeeze %dma_wait3A_375 : memref<1x8x1024xf32, #tpu.memory_space<hbm>> -> memref<8x1024xf32, #tpu.memory_space<hbm>>
        %dma_wait3A_377 = arith.constant 0 : i32
        %dma_wait3A_378 = tpu.memref_slice %arg4[%select_n3A, %add3A_373, %dma_wait3A_377] : memref<4x4096x1024xf32, #tpu.memory_space<hbm>> -> memref<1x8x1024xf32, #tpu.memory_space<hbm>>
        %dma_wait3A_379 = tpu.memref_squeeze %dma_wait3A_378 : memref<1x8x1024xf32, #tpu.memory_space<hbm>> -> memref<8x1024xf32, #tpu.memory_space<hbm>>
        tpu.wait_dma2 semaphore(%arg27 : memref<!tpu.dma_semaphore, #tpu.memory_space<semaphore_mem>>) src(%arg11 : memref<8x1024xf32, #tpu.memory_space<vmem>>) dst(%dma_wait3A_379 : memref<8x1024xf32, #tpu.memory_space<hbm>>)
      } else {
      }
      %ge3A_361 = arith.constant 2 : i32
      %ge3A_362 = arith.cmpi sge, %add3A_337, %ge3A_361 : i32
      %lt3A_363 = arith.constant 58 : i32
      %lt3A_364 = arith.cmpi slt, %add3A_337, %lt3A_363 : i32
      %and3A_365 = arith.andi %ge3A_362, %lt3A_364 : i1
      %convert_element_type3A_366 = arith.extui %and3A_365 : i1 to i32
      %cond3A_367 = arith.constant 0 : i32
      %cond3A_368 = arith.cmpi ne, %convert_element_type3A_366, %cond3A_367 : i32
      scf.if %cond3A_368 {
        %add3A_369 = arith.constant 8 : i32
        %add3A_370 = arith.addi %add3A_337, %add3A_369 : i32
        %sub3A_371 = arith.constant 2 : i32
        %sub3A_372 = arith.subi %add3A_370, %sub3A_371 : i32
        %mul3A_373 = arith.constant 8 : i32
        %mul3A_374 = arith.muli %sub3A_372, %mul3A_373 : i32
        %dma_start3A_375 = tpu.memref_slice %arg5[%mul3A_374] : memref<512xi32, #tpu.memory_space<vmem>> -> memref<8xi32, #tpu.memory_space<vmem>>
        %dma_start3A_376 = arith.constant 0 : i32
        %dma_start3A_377 = arith.constant 0 : i32
        %dma_start3A_378 = tpu.memref_slice %arg2[%dma_start3A_376, %dma_start3A_377] : memref<100000x1024xf32, #tpu.memory_space<hbm>> -> memref<100000x1024xf32, #tpu.memory_space<hbm>>
        tpu.enqueue_indirect_dma source(%dma_start3A_378 : memref<100000x1024xf32, #tpu.memory_space<hbm>>) target(%arg11 : memref<8x1024xf32, #tpu.memory_space<vmem>>) offsets(%dma_start3A_375 : memref<8xi32, #tpu.memory_space<vmem>>) semaphore(%arg19 : memref<!tpu.dma_semaphore, #tpu.memory_space<semaphore_mem>>)
      } else {
      }
    }
    %scan3A_76 = arith.constant 8 : i32
    %add3A_77 = arith.constant 496 : i32
    %add3A_78 = arith.addi %mul3A_32, %add3A_77 : i32
    %dma_wait3A = arith.constant 0 : i32
    %dma_wait3A_79 = tpu.memref_slice %arg4[%select_n3A, %add3A_78, %dma_wait3A] : memref<4x4096x1024xf32, #tpu.memory_space<hbm>> -> memref<1x8x1024xf32, #tpu.memory_space<hbm>>
    %dma_wait3A_80 = tpu.memref_squeeze %dma_wait3A_79 : memref<1x8x1024xf32, #tpu.memory_space<hbm>> -> memref<8x1024xf32, #tpu.memory_space<hbm>>
    %dma_wait3A_81 = arith.constant 0 : i32
    %dma_wait3A_82 = tpu.memref_slice %arg4[%select_n3A, %add3A_78, %dma_wait3A_81] : memref<4x4096x1024xf32, #tpu.memory_space<hbm>> -> memref<1x8x1024xf32, #tpu.memory_space<hbm>>
    %dma_wait3A_83 = tpu.memref_squeeze %dma_wait3A_82 : memref<1x8x1024xf32, #tpu.memory_space<hbm>> -> memref<8x1024xf32, #tpu.memory_space<hbm>>
    tpu.wait_dma2 semaphore(%arg28 : memref<!tpu.dma_semaphore, #tpu.memory_space<semaphore_mem>>) src(%arg12 : memref<8x1024xf32, #tpu.memory_space<vmem>>) dst(%dma_wait3A_83 : memref<8x1024xf32, #tpu.memory_space<hbm>>)
    %add3A_84 = arith.constant 504 : i32
    %add3A_85 = arith.addi %mul3A_32, %add3A_84 : i32
    %dma_wait3A_86 = arith.constant 0 : i32
    %dma_wait3A_87 = tpu.memref_slice %arg4[%select_n3A, %add3A_85, %dma_wait3A_86] : memref<4x4096x1024xf32, #tpu.memory_space<hbm>> -> memref<1x8x1024xf32, #tpu.memory_space<hbm>>
    %dma_wait3A_88 = tpu.memref_squeeze %dma_wait3A_87 : memref<1x8x1024xf32, #tpu.memory_space<hbm>> -> memref<8x1024xf32, #tpu.memory_space<hbm>>
    %dma_wait3A_89 = arith.constant 0 : i32
    %dma_wait3A_90 = tpu.memref_slice %arg4[%select_n3A, %add3A_85, %dma_wait3A_89] : memref<4x4096x1024xf32, #tpu.memory_space<hbm>> -> memref<1x8x1024xf32, #tpu.memory_space<hbm>>
    %dma_wait3A_91 = tpu.memref_squeeze %dma_wait3A_90 : memref<1x8x1024xf32, #tpu.memory_space<hbm>> -> memref<8x1024xf32, #tpu.memory_space<hbm>>
    tpu.wait_dma2 semaphore(%arg29 : memref<!tpu.dma_semaphore, #tpu.memory_space<semaphore_mem>>) src(%arg13 : memref<8x1024xf32, #tpu.memory_space<vmem>>) dst(%dma_wait3A_91 : memref<8x1024xf32, #tpu.memory_space<hbm>>)
    return
  }
}

</mosaic_0001>

<sc_bundles>
// kernel: kernel.3.cloned.1.call-start
scs
__scs_entry_jumppad:
0x0: {  	(pc) =	sbr.rel $0x88, $3  }
0x1: {  	(tag) =	ssettag $0x0;
	lr =	simm.s32 $0x1  }
0x2: {  	[smem:$0x3F9F] =	sst lr;
	_ =	strace $0xD0000000  }
0x3: {  	_ = 	snop  }
0x4: {  	_ = 	snop  }
0x5: {  	_ = 	snop  }
0x6: {  	_ = 	snop  }
0x7: {  	_ = 	snop  }
__scs_overlays_trampoline_lowered:
0x8: {  	[smem:$0x3FAE] =	sst s0  }
0x9: {  	[smem:$0x3FAF] =	sst s1  }
0xa: {  	[smem:$0x3FB0] =	sst s2  }
0xb: {  	[smem:$0x3FB1] =	sst s3  }
0xc: {  	[smem:$0x3FB2] =	sst s4  }
0xd: {  	[smem:$0x3FB3] =	sst s5  }
0xe: {  	[smem:$0x3FB4] =	sst s6  }
0xf: {  	[smem:$0x3FB5] =	sst s7  }
0x10: {  	[smem:$0x3FB6] =	sst s8  }
0x11: {  	[smem:$0x3FB7] =	sst s9;
	s0 =	simm.s32 @!p0 $0x0  }
0x12: {  	s1 =	sld [smem:$0x3F9D];
	s0 =	simm.s32 @p0 $0x1  }
0x13: {  	[smem:$0x3FB8] =	sst s0;
	s0 =	simm.s32 @!p1 $0x0  }
0x14: {  	s2 =	sld [smem:$0x3F9C];
	s0 =	simm.s32 @p1 $0x1  }
0x15: {  	[smem:$0x3FB9] =	sst s0;
	s0 =	simm.s32 @!p2 $0x0  }
0x16: {  	s3 =	sld [smem:$0x3FDB];
	s0 =	simm.s32 @p2 $0x1  }
0x17: {  	s4 =	simm.s32 $0x1BF5;
	[smem:$0x3FBB] =	sst s0  }
0x18: {  	s0 =	sld [smem:$0x3F9E];
	_ =	swait.ge [sflag:s4], $0x0  }
0x19: {  	s7 =	sld [smem:$0x3F9F]  }
0x1a: {  	s8 =	sadd.s32 $0xFFFFE003, lr  }
0x1b: {  	s9 =	sadd.s32 $0xFFFFFEF7, lr;
	s5 =	simm.s32 $0xFFFFFFFF;
	p2 =	slt.u32 s8, $0xFFFFF086  }
0x1c: {  	p1 =	slt.u32 s9, $0xF7A;
	s5 =	simm.s32 @!p2 $0x0  }
0x1d: {  	s5 =	simm.s32 @p1 $0x1;
	p0 =	seq.s32 s7, s2  }
0x1e: {  	s7 =	smul.u32 @!p0 $0xF7A, s2;
	p2 =	seq.s32 @!p0 s5, $0x0  }
0x1f: {  	s9 =	smul.u32 $0xF7A, s1;
	s8 =	simm.s32 @!p0 $0x1BF5;
	p2 =	por !p2, p0  }
0x20: {  	[sflag:s8] =	ssyncset.s32 @!p0 $0xFFFFF086;
	s6 =	sadd.s32 @!p0 s3, s7;
	s7 =	simm.s32 @!p0 $0x108  }
0x21: {  	s3 =	sadd.s32 s3, s9;
	s6 =	sadd.s32 @!p0 $0x88, s6;
	s7 =	simm.s32 @p2 $0x1082  }
0x22: {  	[simem:s7], [sflag:s8] =	dma.local @!p0 [hbm:s6], $0xF7A  }
0x23: {  	s9 =	sor.u32 $0xD0000000, s2;
	s6 =	simm.s32 $0x108;
	_ =	swait.ge @!p0 [sflag:s8], $0x0  }
0x24: {  	s3 =	sadd.s32 $0x88, s3;
	s6 =	simm.s32 @!p1 $0x1082;
	[sflag:s4] =	ssyncset.s32 $0xFFFFF086  }
0x25: {  	[simem:s6], [sflag:s4] =	dma.local [hbm:s3], $0xF7A  }
0x26: {  	[smem:$0x3F9F] =	sst s1;
	(tag) =	ssettag s2;
	_ =	strace s9  }
0x27: {  	s1 =	sld [smem:$0x3FAF]  }
0x28: {  	s2 =	sld [smem:$0x3FB0]  }
0x29: {  	s4 =	sld [smem:$0x3FB2]  }
0x2a: {  	p0 =	seq.s32 s5, $0x0;
	s5 =	sld [smem:$0x3FB3]  }
0x2b: {  	s6 =	sld [smem:$0x3FB4]  }
0x2c: {  	s7 =	sld [smem:$0x3FB5]  }
0x2d: {  	s3 =	simm.s32 $0x108;
	s8 =	sld [smem:$0x3FB6]  }
0x2e: {  	s3 =	simm.s32 @!p0 $0x1082;
	s9 =	sld [smem:$0x3FB7]  }
0x2f: {  	lr =	sadd.s32 s0, s3;
	s0 =	sld [smem:$0x3FAE]  }
0x30: {  	s3 =	sld [smem:$0x3FB1]  }
0x31: {  	[smem:$0x3FBA] =	sst s10  }
0x32: {  	s10 =	sld [smem:$0x3FB8];
	_ =	sdelay $0x3  }
0x33: {  	p0 =	seq.s32 s10, $0x1;
	s10 =	sld [smem:$0x3FBA];
	_ =	sdelay $0x3  }
0x34: {  	[smem:$0x3FBA] =	sst s10  }
0x35: {  	s10 =	sld [smem:$0x3FB9];
	_ =	sdelay $0x3  }
0x36: {  	p1 =	seq.s32 s10, $0x1;
	s10 =	sld [smem:$0x3FBA];
	_ =	sdelay $0x3  }
0x37: {  	[smem:$0x3FBA] =	sst s10  }
0x38: {  	s10 =	sld [smem:$0x3FBB]  }
0x39: {  	_ = 	snop;
	(pc) =	sbr.ind lr, $3  }
0x3a: {  	_ = 	snop  }
0x3b: {  	_ = 	snop  }
0x3c: {  	p2 =	seq.s32 s10, $0x1;
	s10 =	sld [smem:$0x3FBA]  }
0x3d: {  	_ =	shalt  }
0x3e: {  	_ =	shalt  }
0x3f: {  	_ =	shalt  }
0x40: {  	_ =	shalt  }
0x41: {  	_ =	shalt  }
0x42: {  	_ =	shalt  }
0x43: {  	_ =	shalt  }
0x44: {  	_ =	shalt  }
0x45: {  	_ =	shalt  }
0x46: {  	_ =	shalt  }
0x47: {  	_ =	shalt  }
0x48: {  	_ =	shalt  }
0x49: {  	_ =	shalt  }
0x4a: {  	_ =	shalt  }
0x4b: {  	_ =	shalt  }
0x4c: {  	_ =	shalt  }
0x4d: {  	_ =	shalt  }
0x4e: {  	_ =	shalt  }
0x4f: {  	_ =	shalt  }
0x50: {  	_ =	shalt  }
0x51: {  	_ =	shalt  }
0x52: {  	_ =	shalt  }
0x53: {  	_ =	shalt  }
0x54: {  	_ =	shalt  }
0x55: {  	_ =	shalt  }
0x56: {  	_ =	shalt  }
0x57: {  	_ =	shalt  }
0x58: {  	_ =	shalt  }
0x59: {  	_ =	shalt  }
0x5a: {  	_ =	shalt  }
0x5b: {  	_ =	shalt  }
0x5c: {  	_ =	shalt  }
0x5d: {  	_ =	shalt  }
0x5e: {  	_ =	shalt  }
0x5f: {  	_ =	shalt  }
0x60: {  	_ =	shalt  }
0x61: {  	_ =	shalt  }
0x62: {  	_ =	shalt  }
0x63: {  	_ =	shalt  }
0x64: {  	_ =	shalt  }
0x65: {  	_ =	shalt  }
0x66: {  	_ =	shalt  }
0x67: {  	_ =	shalt  }
0x68: {  	_ =	shalt  }
0x69: {  	_ =	shalt  }
0x6a: {  	_ =	shalt  }
0x6b: {  	_ =	shalt  }
0x6c: {  	_ =	shalt  }
0x6d: {  	_ =	shalt  }
0x6e: {  	_ =	shalt  }
0x6f: {  	_ =	shalt  }
0x70: {  	_ =	shalt  }
0x71: {  	_ =	shalt  }
0x72: {  	_ =	shalt  }
0x73: {  	_ =	shalt  }
0x74: {  	_ =	shalt  }
0x75: {  	_ =	shalt  }
0x76: {  	_ =	shalt  }
0x77: {  	_ =	shalt  }
0x78: {  	_ =	shalt  }
0x79: {  	_ =	shalt  }
0x7a: {  	_ =	shalt  }
0x7b: {  	_ =	shalt  }
0x7c: {  	_ =	shalt  }
0x7d: {  	_ =	shalt  }
0x7e: {  	_ =	shalt  }
0x7f: {  	_ =	shalt  }
0x80: {  	_ =	shalt  }
0x81: {  	_ =	shalt  }
0x82: {  	_ =	shalt  }
0x83: {  	_ =	shalt  }
0x84: {  	_ =	shalt  }
0x85: {  	_ =	shalt  }
0x86: {  	_ =	shalt  }
0x87: {  	_ =	shalt  }
.Lfunc_end0:
.L_simem_size_0:
called_computation_lowered:
.L_overlay_start_0:
0x88: {  	s2 =	sld [smem:$0x3FD9]  }
0x89: {  	s3 =	sld [smem:$0x3FFE];
	_ =	sdelay $0x1  }
0x8a: {  	s1 =	srdreg.scid  }
0x8b: {  	s0 =	sand.u32 $0x1, s1  }
0x8c: {  	s18 =	sshll.u32 s0, $0xA;
	s2 =	sadd.s32 s3, s2  }
0x8d: {  	s2 =	sadd.s32 s2, s18  }
0x8e: {  	[smem:$0x3FC6] =	sst s2  }
0x8f: {  	_ = 	snop  }
0x90: {  	s2 =	sld [smem:$0x3FC9]  }
0x91: {  	s19 =	sld [smem:$0x3FC8]  }
0x92: {  	s4 =	sld [smem:$0x3FD0];
	(tm) =	ssettm $0x1  }
0x93: {  	s5 =	sld [smem:$0x3FFB];
	_ =	sdelay $0x3  }
0x94: {  	_ =	strace s5  }
0x95: {  	s5 =	sld [smem:$0x3FFC];
	_ =	sdelay $0x3  }
0x96: {  	_ =	strace s5  }
0x97: {  	s5 =	sld [smem:$0x3FFD];
	_ =	sdelay $0x3  }
0x98: {  	_ =	strace s5  }
0x99: {  	_ =	strace $0x8FFFFFFF  }
0x9a: {  	s20 =	sld [smem:$0x3FDB];
	_ =	sdelay $0x1  }
0x9b: {  	s6 =	simm.s32 $_scs_section_size  }
0x9c: {  	s7 =	simm.s32 $_size__tile_overlayer_lowered;
	s8 =	simm.s32 $_tile_overlayer_lowered  }
0x9d: {  	s23 =	simm.s32 $0x1BFF;
	s22 =	sshll.u32 s8, $0x1;
	s5 =	sadd.s32 s6, s20  }
0x9e: {  	s9 =	simm.s32 $0x0;
	s21 =	sshll.u32 s7, $0x1;
	s7 =	sadd.s32 s22, s5  }
0x9f: {  	[timem:s9], [sflag:s23] =	dma.local [hbm:s7], s21  }
0xa0: {  	_ =	swait.ge [sflag:s23], s21  }
0xa1: {  	s6 =	ssub.s32 $0x0, s21;
	[sflag:s23] =	ssyncset.done $0x0  }
0xa2: {  	[sflag:s23] =	ssyncadd.s32 s6;
	_ =	sdelay $0x1  }
0xa3: {  	s24 =	simm.s32 $0x1B8B  }
0xa4: {  	_ =	swait.ge [sflag:s24], $0x1  }
0xa5: {  	[sflag:s24] =	ssyncset.done $0x0  }
0xa6: {  	s25 =	simm.s32 $0x1B8E;
	[sflag:s24] =	ssyncadd.s32 $0xFFFFFFFF  }
0xa7: {  	s26 =	simm.s32 $execute0_lowered;
	[smem:$0x3FD2] =	sst s25  }
0xa8: {  	s6 =	sshll.u32 s26, $0x1;
	_ =	strace $0x80000046;
	[dreg:$0x1] =	wrdreg $0xFFFFFFFF  }
0xa9: {  	s28 =	simm.s32 $_size_execute0_lowered;
	s5 =	sadd.s32 s5, s6;
	[dreg:$0x0] =	wrdreg $0x0  }
0xaa: {  	s6 =	sshll.u32 s28, $0x1;
	[dreg:$0x2] =	wrdreg s5  }
0xab: {  	[dreg:$0x3] =	wrdreg s6  }
0xac: {  	[dreg:$0x4] =	wrdreg $0xC0  }
0xad: {  	_ =	task [dreg:s9], $0x5FFFF  }
0xae: {  	[dreg:$0x1] =	wrdreg $0xFFFFFFFF  }
0xaf: {  	[dreg:$0x0] =	wrdreg $0x60  }
0xb0: {  	[dreg:$0x2] =	wrdreg s19  }
0xb1: {  	[dreg:$0x3] =	wrdreg s2  }
0xb2: {  	[dreg:$0x4] =	wrdreg s4  }
0xb3: {  	[dreg:$0x5] =	wrdreg $0x9  }
0xb4: {  	_ =	task.clear_ibuf [dreg:s9], $0x6FFFF;
	_ =	strace $0x90000046  }
0xb5: {  	s29 =	simm.s32 $0x9;
	_ =	strace $0x80000048  }
0xb6: {  	_ =	swait.ge [sflag:s29], $0x1  }
0xb7: {  	[sflag:s29] =	ssyncadd.s32 $0xFFFFFFFF  }
0xb8: {  	_ =	strace $0x90000048  }
0xb9: {  	_ =	sfence  }
0xba: {  	s30 =	sld [smem:$0x0];
	_ =	sdelay $0x2  }
0xbb: {  	s31 =	sshll.u32 s1, $0xD;
	s1 =	sshrl.u32 s1, $0x2  }
0xbc: {  	s3 =	sand.u32 $0x4000, s31;
	s1 =	sadd.s32 s1, s30  }
0xbd: {  	s0 =	sor.u32 s3, s0;
	s1 =	sshll.u32 s1, $0x11  }
0xbe: {  	s0 =	sor.u32 s1, s0  }
0xbf: {  	s0 =	sadd.s32 $0x8F2B, s0  }
0xc0: {  	[sflag:s0] =	ssyncadd.remote.s32 $0x1  }
0xc1: {  	_ =	sfence.sel $0xFFFF  }
0xc2: {  	[dreg:$0x0] =	wrdreg $0xFFFFFFFF;
	(pc) =	sbr.abs _section_cstart, $3  }
0xc3: {  	[dreg:$0x1] =	wrdreg $0xFFFFFFFF  }
0xc4: {  	_ =	task.clear_ibuf [dreg:s9], $0x2FFFF;
	_ =	strace $0x9FFFFFFF  }
0xc5: {  	(tm) =	ssettm $0x7FFFFFFF  }
tec
execute0_lowered:
.L_overlay_start_1:
0x0: {  	(tag) =	ssettag $0x1  }
0x1: {  	s1 =	rddreg [dreg:$0x0]  }
0x2: {  	s0 =	rddreg [dreg:$0x1]  }
0x3: {  	s3 =	rddreg [dreg:$0x2];
	s4 =	simm.s32 $0x0  }
0x4: {  	s6 =	stileid.u32;
	s2 =	srdreg.scid;
	s31 =	simm.s32 $0x2  }
0x5: {  	s14 =	simm.s32 $0x4;
	s15 =	simm.s32 $0xA;
	s16 =	simm.s32 $0x5  }
0x6: {  	s19 =	simm.s32 $0xB;
	s20 =	simm.s32 $0x6;
	s22 =	simm.s32 $0xC  }
0x7: {  	s28 =	simm.s32 $0x8;
	s12 =	simm.s32 $0x0;
	[smem:$0x7FF] =	sst s4  }
0x8: {  	s5 =	sshll.u32 s6, $0x1;
	s2 =	sand.u32 $0x1, s2;
	s8 =	sshrl.u32 s6, $0x2  }
0x9: {  	s6 =	sadd.s32 $0x100, s1;
	_ =	strace $0x80000047;
	s5 =	sand.u32 $0x6, s5  }
0xa: {  	s24 =	ssub.s32 $0x2, s2;
	s25 =	sshll.u32 s8, $0x4;
	s29 =	sshll.u32 s8, $0x16  }
0xb: {  	s8 =	sadd.s32 $0x300, s1;
	s2 =	sor.u32 s2, s5;
	s7 =	sshrl.u32 s24, $0x1  }
0xc: {  	s0 =	sadd.s32 s0, s25;
	s5 =	simm.s32 $0xE;
	s9 =	sshll.u32 s2, $0x8  }
0xd: {  	s26 =	ssub.s32 s24, s7;
	s7 =	sadd.s32 $0x200, s1;
	s2 =	sshll.u32 s2, $0x13  }
0xe: {  	v0 =	vlaneseq.u32;
	s24 =	simm.s32 $0x7;
	s0 =	sadd.s32 s9, s0;
	s9 =	sor.u32 s29, s2  }
0xf: {  	v1 =	vshrl.u32 v0, $0x3;
	s30 =	smax.u32 s26, $0x1;
	s2 =	simm.s32 $0x9;
	[dreg:$0x4] =	wrdreg s0  }
0x10: {  	vm0 =	vmmov $0xffff;
	v0 =	vand.u32 $0x7, v0;
	v1 =	vmul.u32 $0x8, v1;
	s26 =	simm.s32 $0xD;
	[dreg:$0x5] =	wrdreg s30;
	s0 =	simm.s32 $0x3  }
.LBB2_1:
0x11: {  	[dreg:$0x6] =	wrdreg s12  }
0x12: {  	s10 =	rddreg [dreg:$0x4]  }
0x13: {  	s11 =	simm.s32 $0x80;
	s25 =	simm.s32 $0x200;
	s29 =	simm.s32 $0x11  }
0x14: {  	[tilespmem:s4], [sflag:$0x11] =	stream.strided.gather [hbm4b:s10+s11], $0x200, s25, s11, $0x38;
	[tilespmem:$0x10200] =	vst v63  }
0x15: {  	_ =	swait.ge [sflag:s29], $0x200  }
0x16: {  	[sflag:s29] =	ssyncset.done $0x0  }
0x17: {  	[sflag:s29] =	ssyncadd.s32 $0xFFFFFE00  }
0x18: {  	v2 =	vld.msk [tilespmem:$0x0], $0xff;
	_ =	sdelay $0x4  }
0x19: {  	v3 =	vshll.u32 v2, $0x3  }
0x1a: {  	v2 =	vand.u32 $0x7, v2;
	v3 =	vand.u32 $0xFFFFFFC0, v3  }
0x1b: {  	v2 =	vor.u32 v2, v3  }
0x1c: {  	v2 =	vperm.xlane v2, v0;
	_ =	sdelay $0x1  }
0x1d: {  	v2 =	vadd.s32 v1, v2;
	_ =	sdelay $0x4  }
0x1e: {  	[tilespmem:s25], [sflag:$0x1] =	stream.indirect_vreg.gather [hbm4b:s1+s4], $0x80, v2, vm0, $0xb8;
	[tilespmem:$0x10200] =	vst v63  }
0x1f: {  	s30 =	simm.s32 $0xA00  }
0x20: {  	[tilespmem:s30], [sflag:$0x1] =	stream.indirect_vreg.gather [hbm4b:s6+s4], $0x80, v2, vm0, $0xb8;
	[tilespmem:$0x10200] =	vst v63  }
0x21: {  	s11 =	simm.s32 $0x1200  }
0x22: {  	[tilespmem:s11], [sflag:$0x1] =	stream.indirect_vreg.gather [hbm4b:s7+s4], $0x80, v2, vm0, $0xb8;
	[tilespmem:$0x10200] =	vst v63  }
0x23: {  	s12 =	simm.s32 $0x1A00  }
0x24: {  	[tilespmem:s12], [sflag:$0x1] =	stream.indirect_vreg.gather [hbm4b:s8+s4], $0x80, v2, vm0, $0xb8;
	[tilespmem:$0x10200] =	vst v63  }
0x25: {  	v2 =	vld.msk [tilespmem:$0x8], $0xff;
	_ =	sdelay $0x4  }
0x26: {  	v3 =	vshll.u32 v2, $0x3  }
0x27: {  	v2 =	vand.u32 $0x7, v2;
	v3 =	vand.u32 $0xFFFFFFC0, v3  }
0x28: {  	v2 =	vor.u32 v2, v3  }
0x29: {  	v2 =	vperm.xlane v2, v0;
	_ =	sdelay $0x1  }
0x2a: {  	v2 =	vadd.s32 v1, v2;
	_ =	sdelay $0x3  }
0x2b: {  	s13 =	simm.s32 $0x2200  }
0x2c: {  	[tilespmem:s13], [sflag:$0x2] =	stream.indirect_vreg.gather [hbm4b:s1+s4], $0x80, v2, vm0, $0xb8;
	[tilespmem:$0x10200] =	vst v63  }
0x2d: {  	s17 =	simm.s32 $0x2A00  }
0x2e: {  	[tilespmem:s17], [sflag:$0x2] =	stream.indirect_vreg.gather [hbm4b:s6+s4], $0x80, v2, vm0, $0xb8;
	[tilespmem:$0x10200] =	vst v63  }
0x2f: {  	s18 =	simm.s32 $0x3200  }
0x30: {  	[tilespmem:s18], [sflag:$0x2] =	stream.indirect_vreg.gather [hbm4b:s7+s4], $0x80, v2, vm0, $0xb8;
	[tilespmem:$0x10200] =	vst v63  }
0x31: {  	s21 =	simm.s32 $0x3A00  }
0x32: {  	[tilespmem:s21], [sflag:$0x2] =	stream.indirect_vreg.gather [hbm4b:s8+s4], $0x80, v2, vm0, $0xb8;
	[tilespmem:$0x10200] =	vst v63  }
0x33: {  	v2 =	vld.msk [tilespmem:$0x10], $0xff;
	_ =	sdelay $0x4  }
0x34: {  	v3 =	vshll.u32 v2, $0x3  }
0x35: {  	v2 =	vand.u32 $0x7, v2;
	v3 =	vand.u32 $0xFFFFFFC0, v3  }
0x36: {  	v2 =	vor.u32 v2, v3  }
0x37: {  	v2 =	vperm.xlane v2, v0;
	_ =	sdelay $0x1  }
0x38: {  	v2 =	vadd.s32 v1, v2;
	_ =	sdelay $0x3  }
0x39: {  	s23 =	simm.s32 $0x4200  }
0x3a: {  	[tilespmem:s23], [sflag:$0x3] =	stream.indirect_vreg.gather [hbm4b:s1+s4], $0x80, v2, vm0, $0xb8;
	[tilespmem:$0x10200] =	vst v63  }
0x3b: {  	s25 =	simm.s32 $0x4A00  }
0x3c: {  	[tilespmem:s25], [sflag:$0x3] =	stream.indirect_vreg.gather [hbm4b:s6+s4], $0x80, v2, vm0, $0xb8;
	[tilespmem:$0x10200] =	vst v63  }
0x3d: {  	s29 =	simm.s32 $0x5200  }
0x3e: {  	[tilespmem:s29], [sflag:$0x3] =	stream.indirect_vreg.gather [hbm4b:s7+s4], $0x80, v2, vm0, $0xb8;
	[tilespmem:$0x10200] =	vst v63  }
0x3f: {  	s30 =	simm.s32 $0x5A00  }
0x40: {  	[tilespmem:s30], [sflag:$0x3] =	stream.indirect_vreg.gather [hbm4b:s8+s4], $0x80, v2, vm0, $0xb8;
	[tilespmem:$0x10200] =	vst v63  }
0x41: {  	v2 =	vld.msk [tilespmem:$0x18], $0xff;
	_ =	sdelay $0x4  }
0x42: {  	v3 =	vshll.u32 v2, $0x3  }
0x43: {  	v2 =	vand.u32 $0x7, v2;
	v3 =	vand.u32 $0xFFFFFFC0, v3  }
0x44: {  	v2 =	vor.u32 v2, v3  }
0x45: {  	v2 =	vperm.xlane v2, v0;
	_ =	sdelay $0x1  }
0x46: {  	v2 =	vadd.s32 v1, v2;
	_ =	sdelay $0x3  }
0x47: {  	s11 =	simm.s32 $0x6200  }
0x48: {  	[tilespmem:s11], [sflag:$0x4] =	stream.indirect_vreg.gather [hbm4b:s1+s4], $0x80, v2, vm0, $0xb8;
	[tilespmem:$0x10200] =	vst v63  }
0x49: {  	s12 =	simm.s32 $0x6A00  }
0x4a: {  	[tilespmem:s12], [sflag:$0x4] =	stream.indirect_vreg.gather [hbm4b:s6+s4], $0x80, v2, vm0, $0xb8;
	[tilespmem:$0x10200] =	vst v63  }
0x4b: {  	s13 =	simm.s32 $0x7200  }
0x4c: {  	[tilespmem:s13], [sflag:$0x4] =	stream.indirect_vreg.gather [hbm4b:s7+s4], $0x80, v2, vm0, $0xb8;
	[tilespmem:$0x10200] =	vst v63  }
0x4d: {  	s17 =	simm.s32 $0x7A00  }
0x4e: {  	[tilespmem:s17], [sflag:$0x4] =	stream.indirect_vreg.gather [hbm4b:s8+s4], $0x80, v2, vm0, $0xb8;
	[tilespmem:$0x10200] =	vst v63  }
0x4f: {  	v2 =	vld.msk [tilespmem:$0x20], $0xff;
	_ =	sdelay $0x4  }
0x50: {  	v3 =	vshll.u32 v2, $0x3  }
0x51: {  	v2 =	vand.u32 $0x7, v2;
	v3 =	vand.u32 $0xFFFFFFC0, v3  }
0x52: {  	v2 =	vor.u32 v2, v3  }
0x53: {  	v2 =	vperm.xlane v2, v0;
	_ =	sdelay $0x1  }
0x54: {  	v2 =	vadd.s32 v1, v2;
	_ =	sdelay $0x3  }
0x55: {  	s18 =	simm.s32 $0x8200  }
0x56: {  	[tilespmem:s18], [sflag:$0x5] =	stream.indirect_vreg.gather [hbm4b:s1+s4], $0x80, v2, vm0, $0xb8;
	[tilespmem:$0x10200] =	vst v63  }
0x57: {  	s21 =	simm.s32 $0x8A00  }
0x58: {  	[tilespmem:s21], [sflag:$0x5] =	stream.indirect_vreg.gather [hbm4b:s6+s4], $0x80, v2, vm0, $0xb8;
	[tilespmem:$0x10200] =	vst v63  }
0x59: {  	s23 =	simm.s32 $0x9200  }
0x5a: {  	[tilespmem:s23], [sflag:$0x5] =	stream.indirect_vreg.gather [hbm4b:s7+s4], $0x80, v2, vm0, $0xb8;
	[tilespmem:$0x10200] =	vst v63  }
0x5b: {  	s25 =	simm.s32 $0x9A00  }
0x5c: {  	[tilespmem:s25], [sflag:$0x5] =	stream.indirect_vreg.gather [hbm4b:s8+s4], $0x80, v2, vm0, $0xb8;
	[tilespmem:$0x10200] =	vst v63  }
0x5d: {  	v2 =	vld.msk [tilespmem:$0x28], $0xff;
	_ =	sdelay $0x4  }
0x5e: {  	v3 =	vshll.u32 v2, $0x3  }
0x5f: {  	v2 =	vand.u32 $0x7, v2;
	v3 =	vand.u32 $0xFFFFFFC0, v3  }
0x60: {  	v2 =	vor.u32 v2, v3  }
0x61: {  	v2 =	vperm.xlane v2, v0;
	_ =	sdelay $0x1  }
0x62: {  	v2 =	vadd.s32 v1, v2;
	_ =	sdelay $0x3  }
0x63: {  	s29 =	simm.s32 $0xA200  }
0x64: {  	[tilespmem:s29], [sflag:$0x6] =	stream.indirect_vreg.gather [hbm4b:s1+s4], $0x80, v2, vm0, $0xb8;
	[tilespmem:$0x10200] =	vst v63  }
0x65: {  	s30 =	simm.s32 $0xAA00  }
0x66: {  	[tilespmem:s30], [sflag:$0x6] =	stream.indirect_vreg.gather [hbm4b:s6+s4], $0x80, v2, vm0, $0xb8;
	[tilespmem:$0x10200] =	vst v63  }
0x67: {  	s11 =	simm.s32 $0xB200  }
0x68: {  	[tilespmem:s11], [sflag:$0x6] =	stream.indirect_vreg.gather [hbm4b:s7+s4], $0x80, v2, vm0, $0xb8;
	[tilespmem:$0x10200] =	vst v63  }
0x69: {  	s12 =	simm.s32 $0xBA00  }
0x6a: {  	[tilespmem:s12], [sflag:$0x6] =	stream.indirect_vreg.gather [hbm4b:s8+s4], $0x80, v2, vm0, $0xb8;
	[tilespmem:$0x10200] =	vst v63  }
0x6b: {  	v2 =	vld.msk [tilespmem:$0x30], $0xff;
	_ =	sdelay $0x4  }
0x6c: {  	v3 =	vshll.u32 v2, $0x3  }
0x6d: {  	v2 =	vand.u32 $0x7, v2;
	v3 =	vand.u32 $0xFFFFFFC0, v3  }
0x6e: {  	v2 =	vor.u32 v2, v3  }
0x6f: {  	v2 =	vperm.xlane v2, v0;
	_ =	sdelay $0x1  }
0x70: {  	v2 =	vadd.s32 v1, v2;
	_ =	sdelay $0x3  }
0x71: {  	s13 =	simm.s32 $0xC200  }
0x72: {  	[tilespmem:s13], [sflag:$0x7] =	stream.indirect_vreg.gather [hbm4b:s1+s4], $0x80, v2, vm0, $0xb8;
	[tilespmem:$0x10200] =	vst v63  }
0x73: {  	s17 =	simm.s32 $0xCA00  }
0x74: {  	[tilespmem:s17], [sflag:$0x7] =	stream.indirect_vreg.gather [hbm4b:s6+s4], $0x80, v2, vm0, $0xb8;
	[tilespmem:$0x10200] =	vst v63  }
0x75: {  	s18 =	simm.s32 $0xD200  }
0x76: {  	[tilespmem:s18], [sflag:$0x7] =	stream.indirect_vreg.gather [hbm4b:s7+s4], $0x80, v2, vm0, $0xb8;
	[tilespmem:$0x10200] =	vst v63  }
0x77: {  	s21 =	simm.s32 $0xDA00  }
0x78: {  	[tilespmem:s21], [sflag:$0x7] =	stream.indirect_vreg.gather [hbm4b:s8+s4], $0x80, v2, vm0, $0xb8;
	[tilespmem:$0x10200] =	vst v63  }
0x79: {  	v2 =	vld.msk [tilespmem:$0x38], $0xff;
	_ =	sdelay $0x4  }
0x7a: {  	v3 =	vshll.u32 v2, $0x3  }
0x7b: {  	v2 =	vand.u32 $0x7, v2;
	v3 =	vand.u32 $0xFFFFFFC0, v3  }
0x7c: {  	v2 =	vor.u32 v2, v3  }
0x7d: {  	v2 =	vperm.xlane v2, v0;
	_ =	sdelay $0x1  }
0x7e: {  	v2 =	vadd.s32 v1, v2;
	_ =	sdelay $0x3  }
0x7f: {  	s23 =	simm.s32 $0xE200  }
0x80: {  	[tilespmem:s23], [sflag:$0x8] =	stream.indirect_vreg.gather [hbm4b:s1+s4], $0x80, v2, vm0, $0xb8;
	[tilespmem:$0x10200] =	vst v63  }
0x81: {  	s25 =	simm.s32 $0xEA00  }
0x82: {  	[tilespmem:s25], [sflag:$0x8] =	stream.indirect_vreg.gather [hbm4b:s6+s4], $0x80, v2, vm0, $0xb8;
	[tilespmem:$0x10200] =	vst v63  }
0x83: {  	s29 =	simm.s32 $0xF200  }
0x84: {  	[tilespmem:s29], [sflag:$0x8] =	stream.indirect_vreg.gather [hbm4b:s7+s4], $0x80, v2, vm0, $0xb8;
	[tilespmem:$0x10200] =	vst v63  }
0x85: {  	s30 =	simm.s32 $0xFA00;
	s13 =	simm.s32 $0x0  }
0x86: {  	[tilespmem:s30], [sflag:$0x8] =	stream.indirect_vreg.gather [hbm4b:s8+s4], $0x80, v2, vm0, $0xb8;
	[tilespmem:$0x10200] =	vst v63  }
.LBB2_2:
0x87: {  	s12 =	simm.s32 $0x1  }
0x88: {  	s10 =	simm.s32 $0x0;
	_ =	swait.ge [sflag:s12], $0x2000  }
0x89: {  	s11 =	sand.u32 $0x1C00, s10;
	s10 =	sand.u32 $0x380, s10;
	[sflag:s12] =	ssyncset.done $0x0  }
0x8a: {  	s17 =	sor.u32 s10, s11;
	[sflag:s12] =	ssyncadd.s32 $0xFFFFE000  }
0x8b: {  	v2 =	vld [tilespmem:s17+$0x270]  }
0x8c: {  	v3 =	vld [tilespmem:s17+$0x200]  }
0x8d: {  	v4 =	vld [tilespmem:s17+$0x210]  }
0x8e: {  	v9 =	vld [tilespmem:s17+$0x250]  }
0x8f: {  	v5 =	vld [tilespmem:s17+$0x220]  }
0x90: {  	s29 =	simm.s32 $0x10;
	s30 =	simm.s32 $0x400;
	v7 =	vld [tilespmem:s17+$0x230];
	v2 =	vmul.f32 $3.200000000e+01, v2  }
0x91: {  	s11 =	sand.u32 $0x1C00, s30;
	s10 =	sand.u32 $0x380, s29;
	v8 =	vld [tilespmem:s17+$0x240];
	v3 =	vmul.f32 $3.200000000e+01, v3  }
0x92: {  	s10 =	sor.u32 s10, s11;
	v10 =	vld [tilespmem:s17+$0x260];
	v4 =	vmul.f32 $3.200000000e+01, v4;
	[tilespmem:s17+$0x270] =	vst v2  }
0x93: {  	v11 =	vld [tilespmem:s10+$0x270];
	v9 =	vmul.f32 $3.200000000e+01, v9;
	[tilespmem:s17+$0x200] =	vst v3  }
0x94: {  	v6 =	vld [tilespmem:s10+$0x200];
	v2 =	vmul.f32 $3.200000000e+01, v5;
	[tilespmem:s17+$0x210] =	vst v4  }
0x95: {  	v3 =	vmul.f32 $3.200000000e+01, v7;
	v5 =	vld [tilespmem:s10+$0x210];
	[tilespmem:s17+$0x250] =	vst v9  }
0x96: {  	v4 =	vmul.f32 $3.200000000e+01, v8;
	[tilespmem:s17+$0x220] =	vst v2;
	v2 =	vld [tilespmem:s10+$0x220]  }
0x97: {  	v8 =	vmul.f32 $3.200000000e+01, v10;
	[tilespmem:s17+$0x230] =	vst v3;
	v3 =	vld [tilespmem:s10+$0x230]  }
0x98: {  	s21 =	simm.s32 $0x80;
	s18 =	simm.s32 $0x800;
	s11 =	simm.s32 $0x20;
	v7 =	vmul.f32 $3.200000000e+01, v11;
	[tilespmem:s17+$0x240] =	vst v4;
	v4 =	vld [tilespmem:s10+$0x240]  }
.LBB2_3:
0x99: {  	s23 =	sand.u32 $0x1C00, s18;
	s25 =	sand.u32 $0x380, s11;
	s21 =	sadd.s32 $0x80, s21;
	v6 =	vmul.f32 $3.200000000e+01, v6;
	v9 =	vld [tilespmem:s10+$0x250];
	[tilespmem:s17+$0x260] =	vst v8  }
0x9a: {  	s17 =	smov.u32 s10;
	p0 =	slt.u32 s21, $0x1F80;
	v5 =	vmul.f32 $3.200000000e+01, v5;
	v8 =	vld [tilespmem:s10+$0x260];
	[tilespmem:s10+$0x270] =	vst v7;
	s10 =	sor.u32 s25, s23  }
0x9b: {  	v7 =	vld [tilespmem:s10+$0x270];
	[tilespmem:s17+$0x200] =	vst v6;
	v2 =	vmul.f32 $3.200000000e+01, v2  }
.Ltmp0:
0x9c: {  	v6 =	vld [tilespmem:s10+$0x200];
	[tilespmem:s17+$0x210] =	vst v5;
	v3 =	vmul.f32 $3.200000000e+01, v3;
	(pc) =	sbr.rel @p0 .LBB2_3-.Ltmp0, $4  }
0x9d: {  	v5 =	vld [tilespmem:s10+$0x210];
	[tilespmem:s17+$0x220] =	vst v2;
	v4 =	vmul.f32 $3.200000000e+01, v4  }
0x9e: {  	v2 =	vld [tilespmem:s10+$0x220];
	[tilespmem:s17+$0x230] =	vst v3;
	v9 =	vmul.f32 $3.200000000e+01, v9  }
0x9f: {  	v3 =	vld [tilespmem:s10+$0x230];
	[tilespmem:s17+$0x240] =	vst v4;
	v8 =	vmul.f32 $3.200000000e+01, v8  }
0xa0: {  	s11 =	sadd.s32 $0x10, s11;
	s18 =	sadd.s32 $0x400, s18;
	v4 =	vld [tilespmem:s10+$0x240];
	v7 =	vmul.f32 $3.200000000e+01, v7;
	[tilespmem:s17+$0x250] =	vst v9  }
0xa1: {  	v6 =	vmul.f32 $3.200000000e+01, v6;
	v9 =	vld [tilespmem:s10+$0x250];
	[tilespmem:s17+$0x260] =	vst v8  }
0xa2: {  	v8 =	vld [tilespmem:s10+$0x260];
	v5 =	vmul.f32 $3.200000000e+01, v5;
	[tilespmem:s10+$0x270] =	vst v7  }
0xa3: {  	[tilespmem:s10+$0x200] =	vst v6;
	v2 =	vmul.f32 $3.200000000e+01, v2  }
0xa4: {  	[tilespmem:s10+$0x210] =	vst v5;
	v3 =	vmul.f32 $3.200000000e+01, v3  }
0xa5: {  	[tilespmem:s10+$0x220] =	vst v2;
	v2 =	vmul.f32 $3.200000000e+01, v4  }
0xa6: {  	s11 =	sshll.u32 s13, $0x10;
	[tilespmem:s10+$0x230] =	vst v3;
	v3 =	vmul.f32 $3.200000000e+01, v9  }
0xa7: {  	s11 =	sor.u32 s11, s9;
	[tilespmem:s10+$0x240] =	vst v2;
	v2 =	vmul.f32 $3.200000000e+01, v8  }
0xa8: {  	p0 =	seq.s32 s13, $0x0;
	s17 =	sshrl.u32 s11, $0x3;
	[tilespmem:s10+$0x250] =	vst v3  }
0xa9: {  	s12 =	simm.s32 $0x200;
	s11 =	sadd.s32 s3, s17;
	[tilespmem:s10+$0x260] =	vst v2;
	s10 =	simm.s32 @!p0 $0xF  }
0xaa: {  	[hbm4b:s11+s4] =	stream.linear.scatter [tilespmem:s12], [sflag:$0x9], $0x2000, $0x38;
	[tilespmem:$0x10200] =	vst v63  }
0xab: {  	s11 =	sshll.u32 @!p0 s13, $0x6;
	_ =	swait.ge @!p0 [sflag:s10], $0x2000  }
0xac: {  	s21 =	sand.u32 @!p0 $0x3FFFFFC0, s11;
	[sflag:s10] =	ssyncset.done @!p0 $0x0  }
0xad: {  	[sflag:s10] =	ssyncadd.s32 @!p0 $0xFFFFE000;
	s10 =	sor.u32 @!p0 $0x30, s21  }
0xae: {  	v2 =	vld.msk @!p0 [tilespmem:s10+$0x0], $0xff;
	_ =	sdelay $0x4  }
0xaf: {  	v3 =	vshll.u32 @!p0 v2, $0x3  }
0xb0: {  	v4 =	vlaneseq.u32 @!p0;
	v2 =	vand.u32 @!p0 $0x7, v2;
	v3 =	vand.u32 @!p0 $0xFFFFFFC0, v3  }
0xb1: {  	v2 =	vor.u32 @!p0 v2, v3;
	v3 =	vand.u32 @!p0 $0x7, v4;
	v4 =	vshrl.u32 @!p0 v4, $0x3  }
0xb2: {  	v2 =	vperm.xlane @!p0 v2, v3;
	v3 =	vmul.u32 @!p0 $0x8, v4;
	_ =	sdelay $0x1  }
0xb3: {  	v2 =	vadd.s32 @!p0 v3, v2;
	_ =	sdelay $0x3  }
0xb4: {  	vm1 =	vmmov @!p0 $0xffff;
	s11 =	simm.s32 @!p0 $0xC200;
	s10 =	simm.s32 @!p0 $0x0  }
0xb5: {  	[tilespmem:s11], [sflag:$0x7] =	stream.indirect_vreg.gather @!p0 [hbm4b:s1+s10], $0x80, v2, vm1, $0xb8;
	[tilespmem:$0x10200] =	vst v63  }
0xb6: {  	s11 =	simm.s32 @!p0 $0xCA00  }
0xb7: {  	[tilespmem:s11], [sflag:$0x7] =	stream.indirect_vreg.gather @!p0 [hbm4b:s6+s10], $0x80, v2, vm1, $0xb8;
	[tilespmem:$0x10200] =	vst v63  }
0xb8: {  	s11 =	simm.s32 @!p0 $0xD200  }
0xb9: {  	[tilespmem:s11], [sflag:$0x7] =	stream.indirect_vreg.gather @!p0 [hbm4b:s7+s10], $0x80, v2, vm1, $0xb8;
	[tilespmem:$0x10200] =	vst v63  }
0xba: {  	s11 =	simm.s32 @!p0 $0xDA00  }
0xbb: {  	[tilespmem:s11], [sflag:$0x7] =	stream.indirect_vreg.gather @!p0 [hbm4b:s8+s10], $0x80, v2, vm1, $0xb8;
	[tilespmem:$0x10200] =	vst v63  }
0xbc: {  	s18 =	simm.s32 $0x0;
	_ =	swait.ge [sflag:s31], $0x2000  }
0xbd: {  	s23 =	sand.u32 $0x1C00, s18;
	s10 =	sand.u32 $0x380, s18;
	[sflag:s31] =	ssyncset.done $0x0  }
0xbe: {  	s30 =	sor.u32 s10, s23;
	[sflag:s31] =	ssyncadd.s32 $0xFFFFE000  }
0xbf: {  	v2 =	vld [tilespmem:s30+$0x2270]  }
0xc0: {  	v3 =	vld [tilespmem:s30+$0x2200]  }
0xc1: {  	v4 =	vld [tilespmem:s30+$0x2210]  }
0xc2: {  	v9 =	vld [tilespmem:s30+$0x2250]  }
0xc3: {  	v5 =	vld [tilespmem:s30+$0x2220]  }
0xc4: {  	s25 =	simm.s32 $0x10;
	s29 =	simm.s32 $0x400;
	v7 =	vld [tilespmem:s30+$0x2230];
	v2 =	vmul.f32 $3.200000000e+01, v2  }
0xc5: {  	s11 =	sand.u32 $0x1C00, s29;
	s10 =	sand.u32 $0x380, s25;
	v8 =	vld [tilespmem:s30+$0x2240];
	v3 =	vmul.f32 $3.200000000e+01, v3  }
0xc6: {  	s25 =	sor.u32 s10, s11;
	v10 =	vld [tilespmem:s30+$0x2260];
	v4 =	vmul.f32 $3.200000000e+01, v4;
	[tilespmem:s30+$0x2270] =	vst v2  }
0xc7: {  	v11 =	vld [tilespmem:s25+$0x2270];
	v9 =	vmul.f32 $3.200000000e+01, v9;
	[tilespmem:s30+$0x2200] =	vst v3  }
0xc8: {  	v6 =	vld [tilespmem:s25+$0x2200];
	v2 =	vmul.f32 $3.200000000e+01, v5;
	[tilespmem:s30+$0x2210] =	vst v4  }
0xc9: {  	v3 =	vmul.f32 $3.200000000e+01, v7;
	v5 =	vld [tilespmem:s25+$0x2210];
	[tilespmem:s30+$0x2250] =	vst v9  }
0xca: {  	v4 =	vmul.f32 $3.200000000e+01, v8;
	[tilespmem:s30+$0x2220] =	vst v2;
	v2 =	vld [tilespmem:s25+$0x2220]  }
0xcb: {  	s18 =	simm.s32 $0x20;
	v8 =	vmul.f32 $3.200000000e+01, v10;
	[tilespmem:s30+$0x2230] =	vst v3;
	v3 =	vld [tilespmem:s25+$0x2230]  }
0xcc: {  	s23 =	simm.s32 $0x800;
	s10 =	sshll.u32 s13, $0x3;
	s11 =	simm.s32 $0x80;
	v7 =	vmul.f32 $3.200000000e+01, v11;
	[tilespmem:s30+$0x2240] =	vst v4;
	v4 =	vld [tilespmem:s25+$0x2240]  }
.LBB2_5:
0xcd: {  	s12 =	sand.u32 $0x1C00, s23;
	s29 =	sand.u32 $0x380, s18;
	s11 =	sadd.s32 $0x80, s11;
	v6 =	vmul.f32 $3.200000000e+01, v6;
	v9 =	vld [tilespmem:s25+$0x2250];
	[tilespmem:s30+$0x2260] =	vst v8  }
0xce: {  	s30 =	smov.u32 s25;
	p1 =	slt.u32 s11, $0x1F80;
	v5 =	vmul.f32 $3.200000000e+01, v5;
	v8 =	vld [tilespmem:s25+$0x2260];
	[tilespmem:s25+$0x2270] =	vst v7;
	s25 =	sor.u32 s29, s12  }
0xcf: {  	v7 =	vld [tilespmem:s25+$0x2270];
	[tilespmem:s30+$0x2200] =	vst v6;
	v2 =	vmul.f32 $3.200000000e+01, v2  }
.Ltmp1:
0xd0: {  	v6 =	vld [tilespmem:s25+$0x2200];
	[tilespmem:s30+$0x2210] =	vst v5;
	v3 =	vmul.f32 $3.200000000e+01, v3;
	(pc) =	sbr.rel @p1 .LBB2_5-.Ltmp1, $4  }
0xd1: {  	v5 =	vld [tilespmem:s25+$0x2210];
	[tilespmem:s30+$0x2220] =	vst v2;
	v4 =	vmul.f32 $3.200000000e+01, v4  }
0xd2: {  	v2 =	vld [tilespmem:s25+$0x2220];
	[tilespmem:s30+$0x2230] =	vst v3;
	v9 =	vmul.f32 $3.200000000e+01, v9  }
0xd3: {  	v3 =	vld [tilespmem:s25+$0x2230];
	[tilespmem:s30+$0x2240] =	vst v4;
	v8 =	vmul.f32 $3.200000000e+01, v8  }
0xd4: {  	s18 =	sadd.s32 $0x10, s18;
	s23 =	sadd.s32 $0x400, s23;
	v4 =	vld [tilespmem:s25+$0x2240];
	v7 =	vmul.f32 $3.200000000e+01, v7;
	[tilespmem:s30+$0x2250] =	vst v9  }
0xd5: {  	v6 =	vmul.f32 $3.200000000e+01, v6;
	v9 =	vld [tilespmem:s25+$0x2250];
	[tilespmem:s30+$0x2260] =	vst v8  }
0xd6: {  	v8 =	vld [tilespmem:s25+$0x2260];
	v5 =	vmul.f32 $3.200000000e+01, v5;
	[tilespmem:s25+$0x2270] =	vst v7  }
0xd7: {  	[tilespmem:s25+$0x2200] =	vst v6;
	v2 =	vmul.f32 $3.200000000e+01, v2  }
0xd8: {  	[tilespmem:s25+$0x2210] =	vst v5;
	v3 =	vmul.f32 $3.200000000e+01, v3  }
0xd9: {  	[tilespmem:s25+$0x2220] =	vst v2;
	v2 =	vmul.f32 $3.200000000e+01, v4  }
0xda: {  	[tilespmem:s25+$0x2230] =	vst v3;
	v3 =	vmul.f32 $3.200000000e+01, v9  }
0xdb: {  	[tilespmem:s25+$0x2240] =	vst v2;
	v2 =	vmul.f32 $3.200000000e+01, v8  }
0xdc: {  	s11 =	sadd.s32 s17, s3;
	[tilespmem:s25+$0x2250] =	vst v3  }
0xdd: {  	s12 =	simm.s32 $0x2200;
	s11 =	sadd.s32 $0x400, s11;
	[tilespmem:s25+$0x2260] =	vst v2  }
0xde: {  	[hbm4b:s11+s4] =	stream.linear.scatter [tilespmem:s12], [sflag:$0xA], $0x2000, $0x38;
	[tilespmem:$0x10200] =	vst v63  }
0xdf: {  	s11 =	simm.s32 @!p0 $0x10  }
0xe0: {  	_ =	swait.ge @!p0 [sflag:s11], $0x2000  }
0xe1: {  	[sflag:s11] =	ssyncset.done @!p0 $0x0  }
0xe2: {  	[sflag:s11] =	ssyncadd.s32 @!p0 $0xFFFFE000;
	s11 =	sor.u32 @!p0 $0x38, s21  }
0xe3: {  	v2 =	vld.msk @!p0 [tilespmem:s11+$0x0], $0xff;
	_ =	sdelay $0x4  }
0xe4: {  	v3 =	vshll.u32 @!p0 v2, $0x3  }
0xe5: {  	v4 =	vlaneseq.u32 @!p0;
	v2 =	vand.u32 @!p0 $0x7, v2;
	v3 =	vand.u32 @!p0 $0xFFFFFFC0, v3  }
0xe6: {  	v2 =	vor.u32 @!p0 v2, v3;
	v3 =	vand.u32 @!p0 $0x7, v4;
	v4 =	vshrl.u32 @!p0 v4, $0x3  }
0xe7: {  	v2 =	vperm.xlane @!p0 v2, v3;
	v3 =	vmul.u32 @!p0 $0x8, v4;
	_ =	sdelay $0x1  }
0xe8: {  	v2 =	vadd.s32 @!p0 v3, v2;
	_ =	sdelay $0x3  }
0xe9: {  	s12 =	simm.s32 @!p0 $0xE200;
	s11 =	simm.s32 @!p0 $0x0  }
0xea: {  	[tilespmem:s12], [sflag:$0x8] =	stream.indirect_vreg.gather @!p0 [hbm4b:s1+s11], $0x80, v2, vm1, $0xb8;
	[tilespmem:$0x10200] =	vst v63  }
0xeb: {  	s12 =	simm.s32 @!p0 $0xEA00  }
0xec: {  	[tilespmem:s12], [sflag:$0x8] =	stream.indirect_vreg.gather @!p0 [hbm4b:s6+s11], $0x80, v2, vm1, $0xb8;
	[tilespmem:$0x10200] =	vst v63  }
0xed: {  	s12 =	simm.s32 @!p0 $0xF200  }
0xee: {  	[tilespmem:s12], [sflag:$0x8] =	stream.indirect_vreg.gather @!p0 [hbm4b:s7+s11], $0x80, v2, vm1, $0xb8;
	[tilespmem:$0x10200] =	vst v63  }
0xef: {  	s12 =	simm.s32 @!p0 $0xFA00  }
0xf0: {  	[tilespmem:s12], [sflag:$0x8] =	stream.indirect_vreg.gather @!p0 [hbm4b:s8+s11], $0x80, v2, vm1, $0xb8;
	[tilespmem:$0x10200] =	vst v63  }
0xf1: {  	s23 =	simm.s32 $0x0;
	_ =	swait.ge [sflag:s0], $0x2000  }
0xf2: {  	s25 =	sand.u32 $0x1C00, s23;
	s11 =	sand.u32 $0x380, s23;
	[sflag:s0] =	ssyncset.done $0x0  }
0xf3: {  	s21 =	sor.u32 s11, s25;
	[sflag:s0] =	ssyncadd.s32 $0xFFFFE000  }
0xf4: {  	v2 =	vld [tilespmem:s21+$0x4270]  }
0xf5: {  	v3 =	vld [tilespmem:s21+$0x4200]  }
0xf6: {  	v4 =	vld [tilespmem:s21+$0x4210]  }
0xf7: {  	v9 =	vld [tilespmem:s21+$0x4250]  }
0xf8: {  	v5 =	vld [tilespmem:s21+$0x4220]  }
0xf9: {  	s29 =	simm.s32 $0x10;
	s30 =	simm.s32 $0x400;
	v7 =	vld [tilespmem:s21+$0x4230];
	v2 =	vmul.f32 $3.200000000e+01, v2  }
0xfa: {  	s12 =	sand.u32 $0x1C00, s30;
	s11 =	sand.u32 $0x380, s29;
	v8 =	vld [tilespmem:s21+$0x4240];
	v3 =	vmul.f32 $3.200000000e+01, v3  }
0xfb: {  	s17 =	sor.u32 s11, s12;
	v10 =	vld [tilespmem:s21+$0x4260];
	v4 =	vmul.f32 $3.200000000e+01, v4;
	[tilespmem:s21+$0x4270] =	vst v2  }
0xfc: {  	v11 =	vld [tilespmem:s17+$0x4270];
	v9 =	vmul.f32 $3.200000000e+01, v9;
	[tilespmem:s21+$0x4200] =	vst v3  }
0xfd: {  	v6 =	vld [tilespmem:s17+$0x4200];
	v2 =	vmul.f32 $3.200000000e+01, v5;
	[tilespmem:s21+$0x4210] =	vst v4  }
0xfe: {  	v3 =	vmul.f32 $3.200000000e+01, v7;
	v5 =	vld [tilespmem:s17+$0x4210];
	[tilespmem:s21+$0x4250] =	vst v9  }
0xff: {  	v4 =	vmul.f32 $3.200000000e+01, v8;
	[tilespmem:s21+$0x4220] =	vst v2;
	v2 =	vld [tilespmem:s17+$0x4220]  }
0x100: {  	v8 =	vmul.f32 $3.200000000e+01, v10;
	[tilespmem:s21+$0x4230] =	vst v3;
	v3 =	vld [tilespmem:s17+$0x4230]  }
0x101: {  	s18 =	simm.s32 $0x20;
	s23 =	simm.s32 $0x800;
	s11 =	simm.s32 $0x80;
	v7 =	vmul.f32 $3.200000000e+01, v11;
	[tilespmem:s21+$0x4240] =	vst v4;
	v4 =	vld [tilespmem:s17+$0x4240]  }
.LBB2_7:
0x102: {  	s12 =	sand.u32 $0x1C00, s23;
	s25 =	sand.u32 $0x380, s18;
	s11 =	sadd.s32 $0x80, s11;
	v6 =	vmul.f32 $3.200000000e+01, v6;
	v9 =	vld [tilespmem:s17+$0x4250];
	[tilespmem:s21+$0x4260] =	vst v8  }
0x103: {  	s21 =	smov.u32 s17;
	p0 =	slt.u32 s11, $0x1F80;
	v5 =	vmul.f32 $3.200000000e+01, v5;
	v8 =	vld [tilespmem:s17+$0x4260];
	[tilespmem:s17+$0x4270] =	vst v7;
	s17 =	sor.u32 s25, s12  }
0x104: {  	v7 =	vld [tilespmem:s17+$0x4270];
	[tilespmem:s21+$0x4200] =	vst v6;
	v2 =	vmul.f32 $3.200000000e+01, v2  }
.Ltmp2:
0x105: {  	v6 =	vld [tilespmem:s17+$0x4200];
	[tilespmem:s21+$0x4210] =	vst v5;
	v3 =	vmul.f32 $3.200000000e+01, v3;
	(pc) =	sbr.rel @p0 .LBB2_7-.Ltmp2, $4  }
0x106: {  	v5 =	vld [tilespmem:s17+$0x4210];
	[tilespmem:s21+$0x4220] =	vst v2;
	v4 =	vmul.f32 $3.200000000e+01, v4  }
0x107: {  	v2 =	vld [tilespmem:s17+$0x4220];
	[tilespmem:s21+$0x4230] =	vst v3;
	v9 =	vmul.f32 $3.200000000e+01, v9  }
0x108: {  	v3 =	vld [tilespmem:s17+$0x4230];
	[tilespmem:s21+$0x4240] =	vst v4;
	v8 =	vmul.f32 $3.200000000e+01, v8  }
0x109: {  	s18 =	sadd.s32 $0x10, s18;
	s23 =	sadd.s32 $0x400, s23;
	v4 =	vld [tilespmem:s17+$0x4240];
	v7 =	vmul.f32 $3.200000000e+01, v7;
	[tilespmem:s21+$0x4250] =	vst v9  }
0x10a: {  	v6 =	vmul.f32 $3.200000000e+01, v6;
	v9 =	vld [tilespmem:s17+$0x4250];
	[tilespmem:s21+$0x4260] =	vst v8  }
0x10b: {  	v8 =	vld [tilespmem:s17+$0x4260];
	v5 =	vmul.f32 $3.200000000e+01, v5;
	[tilespmem:s17+$0x4270] =	vst v7  }
0x10c: {  	[tilespmem:s17+$0x4200] =	vst v6;
	v2 =	vmul.f32 $3.200000000e+01, v2  }
0x10d: {  	[tilespmem:s17+$0x4210] =	vst v5;
	v3 =	vmul.f32 $3.200000000e+01, v3  }
0x10e: {  	s11 =	sor.u32 $0x2, s10;
	[tilespmem:s17+$0x4220] =	vst v2;
	v2 =	vmul.f32 $3.200000000e+01, v4  }
0x10f: {  	s12 =	sshll.u32 s11, $0xD;
	[tilespmem:s17+$0x4230] =	vst v3;
	v3 =	vmul.f32 $3.200000000e+01, v9  }
0x110: {  	s12 =	sadd.s32 s9, s12;
	[tilespmem:s17+$0x4240] =	vst v2;
	v2 =	vmul.f32 $3.200000000e+01, v8  }
0x111: {  	s12 =	sshrl.u32 s12, $0x3;
	[tilespmem:s17+$0x4250] =	vst v3  }
0x112: {  	s21 =	simm.s32 $0x4200;
	s12 =	sadd.s32 s3, s12;
	[tilespmem:s17+$0x4260] =	vst v2  }
0x113: {  	[hbm4b:s12+s4] =	stream.linear.scatter [tilespmem:s21], [sflag:$0xB], $0x2000, $0x38;
	[tilespmem:$0x10200] =	vst v63  }
0x114: {  	p0 =	sgt.u32 s11, $0x39;
	_ =	swait.ge [sflag:s2], $0x2000  }
0x115: {  	s11 =	sshll.u32 @!p0 s13, $0x6;
	[sflag:s2] =	ssyncset.done $0x0  }
0x116: {  	s11 =	sand.u32 @!p0 $0x3FFFFFC0, s11;
	[sflag:s2] =	ssyncadd.s32 $0xFFFFE000  }
0x117: {  	v2 =	vld.msk @!p0 [tilespmem:s11+$0x40], $0xff;
	_ =	sdelay $0x4  }
0x118: {  	v3 =	vshll.u32 @!p0 v2, $0x3  }
0x119: {  	v4 =	vlaneseq.u32 @!p0;
	v2 =	vand.u32 @!p0 $0x7, v2;
	v3 =	vand.u32 @!p0 $0xFFFFFFC0, v3  }
0x11a: {  	v2 =	vor.u32 @!p0 v2, v3;
	v3 =	vand.u32 @!p0 $0x7, v4;
	v4 =	vshrl.u32 @!p0 v4, $0x3  }
0x11b: {  	v2 =	vperm.xlane @!p0 v2, v3;
	v3 =	vmul.u32 @!p0 $0x8, v4;
	_ =	sdelay $0x1  }
0x11c: {  	v2 =	vadd.s32 @!p0 v3, v2;
	_ =	sdelay $0x3  }
0x11d: {  	vm1 =	vmmov @!p0 $0xffff;
	s12 =	simm.s32 @!p0 $0x200;
	s11 =	simm.s32 @!p0 $0x0  }
0x11e: {  	[tilespmem:s12], [sflag:$0x1] =	stream.indirect_vreg.gather @!p0 [hbm4b:s1+s11], $0x80, v2, vm1, $0xb8;
	[tilespmem:$0x10200] =	vst v63  }
0x11f: {  	s12 =	simm.s32 @!p0 $0xA00  }
0x120: {  	[tilespmem:s12], [sflag:$0x1] =	stream.indirect_vreg.gather @!p0 [hbm4b:s6+s11], $0x80, v2, vm1, $0xb8;
	[tilespmem:$0x10200] =	vst v63  }
0x121: {  	s12 =	simm.s32 @!p0 $0x1200  }
0x122: {  	[tilespmem:s12], [sflag:$0x1] =	stream.indirect_vreg.gather @!p0 [hbm4b:s7+s11], $0x80, v2, vm1, $0xb8;
	[tilespmem:$0x10200] =	vst v63  }
0x123: {  	s12 =	simm.s32 @!p0 $0x1A00  }
0x124: {  	[tilespmem:s12], [sflag:$0x1] =	stream.indirect_vreg.gather @!p0 [hbm4b:s8+s11], $0x80, v2, vm1, $0xb8;
	[tilespmem:$0x10200] =	vst v63  }
0x125: {  	s23 =	simm.s32 $0x0;
	_ =	swait.ge [sflag:s14], $0x2000  }
0x126: {  	s25 =	sand.u32 $0x1C00, s23;
	s11 =	sand.u32 $0x380, s23;
	[sflag:s14] =	ssyncset.done $0x0  }
0x127: {  	s21 =	sor.u32 s11, s25;
	[sflag:s14] =	ssyncadd.s32 $0xFFFFE000  }
0x128: {  	v2 =	vld [tilespmem:s21+$0x6270]  }
0x129: {  	v3 =	vld [tilespmem:s21+$0x6200]  }
0x12a: {  	v4 =	vld [tilespmem:s21+$0x6210]  }
0x12b: {  	v9 =	vld [tilespmem:s21+$0x6250]  }
0x12c: {  	v5 =	vld [tilespmem:s21+$0x6220]  }
0x12d: {  	s29 =	simm.s32 $0x10;
	s30 =	simm.s32 $0x400;
	v7 =	vld [tilespmem:s21+$0x6230];
	v2 =	vmul.f32 $3.200000000e+01, v2  }
0x12e: {  	s12 =	sand.u32 $0x1C00, s30;
	s11 =	sand.u32 $0x380, s29;
	v8 =	vld [tilespmem:s21+$0x6240];
	v3 =	vmul.f32 $3.200000000e+01, v3  }
0x12f: {  	s17 =	sor.u32 s11, s12;
	v10 =	vld [tilespmem:s21+$0x6260];
	v4 =	vmul.f32 $3.200000000e+01, v4;
	[tilespmem:s21+$0x6270] =	vst v2  }
0x130: {  	v11 =	vld [tilespmem:s17+$0x6270];
	v9 =	vmul.f32 $3.200000000e+01, v9;
	[tilespmem:s21+$0x6200] =	vst v3  }
0x131: {  	v6 =	vld [tilespmem:s17+$0x6200];
	v2 =	vmul.f32 $3.200000000e+01, v5;
	[tilespmem:s21+$0x6210] =	vst v4  }
0x132: {  	v3 =	vmul.f32 $3.200000000e+01, v7;
	v5 =	vld [tilespmem:s17+$0x6210];
	[tilespmem:s21+$0x6250] =	vst v9  }
0x133: {  	v4 =	vmul.f32 $3.200000000e+01, v8;
	[tilespmem:s21+$0x6220] =	vst v2;
	v2 =	vld [tilespmem:s17+$0x6220]  }
0x134: {  	v8 =	vmul.f32 $3.200000000e+01, v10;
	[tilespmem:s21+$0x6230] =	vst v3;
	v3 =	vld [tilespmem:s17+$0x6230]  }
0x135: {  	s18 =	simm.s32 $0x20;
	s23 =	simm.s32 $0x800;
	s11 =	simm.s32 $0x80;
	v7 =	vmul.f32 $3.200000000e+01, v11;
	[tilespmem:s21+$0x6240] =	vst v4;
	v4 =	vld [tilespmem:s17+$0x6240]  }
.LBB2_9:
0x136: {  	s12 =	sand.u32 $0x1C00, s23;
	s25 =	sand.u32 $0x380, s18;
	s11 =	sadd.s32 $0x80, s11;
	v6 =	vmul.f32 $3.200000000e+01, v6;
	v9 =	vld [tilespmem:s17+$0x6250];
	[tilespmem:s21+$0x6260] =	vst v8  }
0x137: {  	s21 =	smov.u32 s17;
	p0 =	slt.u32 s11, $0x1F80;
	v5 =	vmul.f32 $3.200000000e+01, v5;
	v8 =	vld [tilespmem:s17+$0x6260];
	[tilespmem:s17+$0x6270] =	vst v7;
	s17 =	sor.u32 s25, s12  }
0x138: {  	v7 =	vld [tilespmem:s17+$0x6270];
	[tilespmem:s21+$0x6200] =	vst v6;
	v2 =	vmul.f32 $3.200000000e+01, v2  }
.Ltmp3:
0x139: {  	v6 =	vld [tilespmem:s17+$0x6200];
	[tilespmem:s21+$0x6210] =	vst v5;
	v3 =	vmul.f32 $3.200000000e+01, v3;
	(pc) =	sbr.rel @p0 .LBB2_9-.Ltmp3, $4  }
0x13a: {  	v5 =	vld [tilespmem:s17+$0x6210];
	[tilespmem:s21+$0x6220] =	vst v2;
	v4 =	vmul.f32 $3.200000000e+01, v4  }
0x13b: {  	v2 =	vld [tilespmem:s17+$0x6220];
	[tilespmem:s21+$0x6230] =	vst v3;
	v9 =	vmul.f32 $3.200000000e+01, v9  }
0x13c: {  	v3 =	vld [tilespmem:s17+$0x6230];
	[tilespmem:s21+$0x6240] =	vst v4;
	v8 =	vmul.f32 $3.200000000e+01, v8  }
0x13d: {  	s18 =	sadd.s32 $0x10, s18;
	s23 =	sadd.s32 $0x400, s23;
	v4 =	vld [tilespmem:s17+$0x6240];
	v7 =	vmul.f32 $3.200000000e+01, v7;
	[tilespmem:s21+$0x6250] =	vst v9  }
0x13e: {  	v6 =	vmul.f32 $3.200000000e+01, v6;
	v9 =	vld [tilespmem:s17+$0x6250];
	[tilespmem:s21+$0x6260] =	vst v8  }
0x13f: {  	v8 =	vld [tilespmem:s17+$0x6260];
	v5 =	vmul.f32 $3.200000000e+01, v5;
	[tilespmem:s17+$0x6270] =	vst v7  }
0x140: {  	[tilespmem:s17+$0x6200] =	vst v6;
	v2 =	vmul.f32 $3.200000000e+01, v2  }
0x141: {  	[tilespmem:s17+$0x6210] =	vst v5;
	v3 =	vmul.f32 $3.200000000e+01, v3  }
0x142: {  	s11 =	sor.u32 $0x3, s10;
	[tilespmem:s17+$0x6220] =	vst v2;
	v2 =	vmul.f32 $3.200000000e+01, v4  }
0x143: {  	s12 =	sshll.u32 s11, $0xD;
	[tilespmem:s17+$0x6230] =	vst v3;
	v3 =	vmul.f32 $3.200000000e+01, v9  }
0x144: {  	s12 =	sadd.s32 s9, s12;
	[tilespmem:s17+$0x6240] =	vst v2;
	v2 =	vmul.f32 $3.200000000e+01, v8  }
0x145: {  	s12 =	sshrl.u32 s12, $0x3;
	[tilespmem:s17+$0x6250] =	vst v3  }
0x146: {  	s21 =	simm.s32 $0x6200;
	s12 =	sadd.s32 s3, s12;
	[tilespmem:s17+$0x6260] =	vst v2  }
0x147: {  	[hbm4b:s12+s4] =	stream.linear.scatter [tilespmem:s21], [sflag:$0xC], $0x2000, $0x38;
	[tilespmem:$0x10200] =	vst v63  }
0x148: {  	p0 =	sgt.u32 s11, $0x39;
	_ =	swait.ge [sflag:s15], $0x2000  }
0x149: {  	s11 =	sshll.u32 @!p0 s13, $0x6;
	[sflag:s15] =	ssyncset.done $0x0  }
0x14a: {  	s11 =	sand.u32 @!p0 $0x3FFFFFC0, s11;
	[sflag:s15] =	ssyncadd.s32 $0xFFFFE000  }
0x14b: {  	v2 =	vld.msk @!p0 [tilespmem:s11+$0x48], $0xff;
	_ =	sdelay $0x4  }
0x14c: {  	v3 =	vshll.u32 @!p0 v2, $0x3  }
0x14d: {  	v4 =	vlaneseq.u32 @!p0;
	v2 =	vand.u32 @!p0 $0x7, v2;
	v3 =	vand.u32 @!p0 $0xFFFFFFC0, v3  }
0x14e: {  	v2 =	vor.u32 @!p0 v2, v3;
	v3 =	vand.u32 @!p0 $0x7, v4;
	v4 =	vshrl.u32 @!p0 v4, $0x3  }
0x14f: {  	v2 =	vperm.xlane @!p0 v2, v3;
	v3 =	vmul.u32 @!p0 $0x8, v4;
	_ =	sdelay $0x1  }
0x150: {  	v2 =	vadd.s32 @!p0 v3, v2;
	_ =	sdelay $0x3  }
0x151: {  	vm1 =	vmmov @!p0 $0xffff;
	s12 =	simm.s32 @!p0 $0x2200;
	s11 =	simm.s32 @!p0 $0x0  }
0x152: {  	[tilespmem:s12], [sflag:$0x2] =	stream.indirect_vreg.gather @!p0 [hbm4b:s1+s11], $0x80, v2, vm1, $0xb8;
	[tilespmem:$0x10200] =	vst v63  }
0x153: {  	s12 =	simm.s32 @!p0 $0x2A00  }
0x154: {  	[tilespmem:s12], [sflag:$0x2] =	stream.indirect_vreg.gather @!p0 [hbm4b:s6+s11], $0x80, v2, vm1, $0xb8;
	[tilespmem:$0x10200] =	vst v63  }
0x155: {  	s12 =	simm.s32 @!p0 $0x3200  }
0x156: {  	[tilespmem:s12], [sflag:$0x2] =	stream.indirect_vreg.gather @!p0 [hbm4b:s7+s11], $0x80, v2, vm1, $0xb8;
	[tilespmem:$0x10200] =	vst v63  }
0x157: {  	s12 =	simm.s32 @!p0 $0x3A00  }
0x158: {  	[tilespmem:s12], [sflag:$0x2] =	stream.indirect_vreg.gather @!p0 [hbm4b:s8+s11], $0x80, v2, vm1, $0xb8;
	[tilespmem:$0x10200] =	vst v63  }
0x159: {  	s23 =	simm.s32 $0x0;
	_ =	swait.ge [sflag:s16], $0x2000  }
0x15a: {  	s25 =	sand.u32 $0x1C00, s23;
	s11 =	sand.u32 $0x380, s23;
	[sflag:s16] =	ssyncset.done $0x0  }
0x15b: {  	s21 =	sor.u32 s11, s25;
	[sflag:s16] =	ssyncadd.s32 $0xFFFFE000  }
0x15c: {  	v2 =	vld [tilespmem:s21+$0x8270]  }
0x15d: {  	v3 =	vld [tilespmem:s21+$0x8200]  }
0x15e: {  	v4 =	vld [tilespmem:s21+$0x8210]  }
0x15f: {  	v9 =	vld [tilespmem:s21+$0x8250]  }
0x160: {  	v5 =	vld [tilespmem:s21+$0x8220]  }
0x161: {  	s29 =	simm.s32 $0x10;
	s30 =	simm.s32 $0x400;
	v7 =	vld [tilespmem:s21+$0x8230];
	v2 =	vmul.f32 $3.200000000e+01, v2  }
0x162: {  	s12 =	sand.u32 $0x1C00, s30;
	s11 =	sand.u32 $0x380, s29;
	v8 =	vld [tilespmem:s21+$0x8240];
	v3 =	vmul.f32 $3.200000000e+01, v3  }
0x163: {  	s17 =	sor.u32 s11, s12;
	v10 =	vld [tilespmem:s21+$0x8260];
	v4 =	vmul.f32 $3.200000000e+01, v4;
	[tilespmem:s21+$0x8270] =	vst v2  }
0x164: {  	v11 =	vld [tilespmem:s17+$0x8270];
	v9 =	vmul.f32 $3.200000000e+01, v9;
	[tilespmem:s21+$0x8200] =	vst v3  }
0x165: {  	v6 =	vld [tilespmem:s17+$0x8200];
	v2 =	vmul.f32 $3.200000000e+01, v5;
	[tilespmem:s21+$0x8210] =	vst v4  }
0x166: {  	v3 =	vmul.f32 $3.200000000e+01, v7;
	v5 =	vld [tilespmem:s17+$0x8210];
	[tilespmem:s21+$0x8250] =	vst v9  }
0x167: {  	v4 =	vmul.f32 $3.200000000e+01, v8;
	[tilespmem:s21+$0x8220] =	vst v2;
	v2 =	vld [tilespmem:s17+$0x8220]  }
0x168: {  	v8 =	vmul.f32 $3.200000000e+01, v10;
	[tilespmem:s21+$0x8230] =	vst v3;
	v3 =	vld [tilespmem:s17+$0x8230]  }
0x169: {  	s18 =	simm.s32 $0x20;
	s23 =	simm.s32 $0x800;
	s11 =	simm.s32 $0x80;
	v7 =	vmul.f32 $3.200000000e+01, v11;
	[tilespmem:s21+$0x8240] =	vst v4;
	v4 =	vld [tilespmem:s17+$0x8240]  }
.LBB2_11:
0x16a: {  	s12 =	sand.u32 $0x1C00, s23;
	s25 =	sand.u32 $0x380, s18;
	s11 =	sadd.s32 $0x80, s11;
	v6 =	vmul.f32 $3.200000000e+01, v6;
	v9 =	vld [tilespmem:s17+$0x8250];
	[tilespmem:s21+$0x8260] =	vst v8  }
0x16b: {  	s21 =	smov.u32 s17;
	p0 =	slt.u32 s11, $0x1F80;
	v5 =	vmul.f32 $3.200000000e+01, v5;
	v8 =	vld [tilespmem:s17+$0x8260];
	[tilespmem:s17+$0x8270] =	vst v7;
	s17 =	sor.u32 s25, s12  }
0x16c: {  	v7 =	vld [tilespmem:s17+$0x8270];
	[tilespmem:s21+$0x8200] =	vst v6;
	v2 =	vmul.f32 $3.200000000e+01, v2  }
.Ltmp4:
0x16d: {  	v6 =	vld [tilespmem:s17+$0x8200];
	[tilespmem:s21+$0x8210] =	vst v5;
	v3 =	vmul.f32 $3.200000000e+01, v3;
	(pc) =	sbr.rel @p0 .LBB2_11-.Ltmp4, $4  }
0x16e: {  	v5 =	vld [tilespmem:s17+$0x8210];
	[tilespmem:s21+$0x8220] =	vst v2;
	v4 =	vmul.f32 $3.200000000e+01, v4  }
0x16f: {  	v2 =	vld [tilespmem:s17+$0x8220];
	[tilespmem:s21+$0x8230] =	vst v3;
	v9 =	vmul.f32 $3.200000000e+01, v9  }
0x170: {  	v3 =	vld [tilespmem:s17+$0x8230];
	[tilespmem:s21+$0x8240] =	vst v4;
	v8 =	vmul.f32 $3.200000000e+01, v8  }
0x171: {  	s18 =	sadd.s32 $0x10, s18;
	s23 =	sadd.s32 $0x400, s23;
	v4 =	vld [tilespmem:s17+$0x8240];
	v7 =	vmul.f32 $3.200000000e+01, v7;
	[tilespmem:s21+$0x8250] =	vst v9  }
0x172: {  	v6 =	vmul.f32 $3.200000000e+01, v6;
	v9 =	vld [tilespmem:s17+$0x8250];
	[tilespmem:s21+$0x8260] =	vst v8  }
0x173: {  	v8 =	vld [tilespmem:s17+$0x8260];
	v5 =	vmul.f32 $3.200000000e+01, v5;
	[tilespmem:s17+$0x8270] =	vst v7  }
0x174: {  	[tilespmem:s17+$0x8200] =	vst v6;
	v2 =	vmul.f32 $3.200000000e+01, v2  }
0x175: {  	[tilespmem:s17+$0x8210] =	vst v5;
	v3 =	vmul.f32 $3.200000000e+01, v3  }
0x176: {  	s11 =	sor.u32 $0x4, s10;
	[tilespmem:s17+$0x8220] =	vst v2;
	v2 =	vmul.f32 $3.200000000e+01, v4  }
0x177: {  	s12 =	sshll.u32 s11, $0xD;
	[tilespmem:s17+$0x8230] =	vst v3;
	v3 =	vmul.f32 $3.200000000e+01, v9  }
0x178: {  	s12 =	sadd.s32 s9, s12;
	[tilespmem:s17+$0x8240] =	vst v2;
	v2 =	vmul.f32 $3.200000000e+01, v8  }
0x179: {  	s12 =	sshrl.u32 s12, $0x3;
	[tilespmem:s17+$0x8250] =	vst v3  }
0x17a: {  	s21 =	simm.s32 $0x8200;
	s12 =	sadd.s32 s3, s12;
	[tilespmem:s17+$0x8260] =	vst v2  }
0x17b: {  	[hbm4b:s12+s4] =	stream.linear.scatter [tilespmem:s21], [sflag:$0xD], $0x2000, $0x38;
	[tilespmem:$0x10200] =	vst v63  }
0x17c: {  	p0 =	sgt.u32 s11, $0x39;
	_ =	swait.ge [sflag:s19], $0x2000  }
0x17d: {  	s11 =	sshll.u32 @!p0 s13, $0x6;
	[sflag:s19] =	ssyncset.done $0x0  }
0x17e: {  	s11 =	sand.u32 @!p0 $0x3FFFFFC0, s11;
	[sflag:s19] =	ssyncadd.s32 $0xFFFFE000  }
0x17f: {  	v2 =	vld.msk @!p0 [tilespmem:s11+$0x50], $0xff;
	_ =	sdelay $0x4  }
0x180: {  	v3 =	vshll.u32 @!p0 v2, $0x3  }
0x181: {  	v4 =	vlaneseq.u32 @!p0;
	v2 =	vand.u32 @!p0 $0x7, v2;
	v3 =	vand.u32 @!p0 $0xFFFFFFC0, v3  }
0x182: {  	v2 =	vor.u32 @!p0 v2, v3;
	v3 =	vand.u32 @!p0 $0x7, v4;
	v4 =	vshrl.u32 @!p0 v4, $0x3  }
0x183: {  	v2 =	vperm.xlane @!p0 v2, v3;
	v3 =	vmul.u32 @!p0 $0x8, v4;
	_ =	sdelay $0x1  }
0x184: {  	v2 =	vadd.s32 @!p0 v3, v2;
	_ =	sdelay $0x3  }
0x185: {  	vm1 =	vmmov @!p0 $0xffff;
	s12 =	simm.s32 @!p0 $0x4200;
	s11 =	simm.s32 @!p0 $0x0  }
0x186: {  	[tilespmem:s12], [sflag:$0x3] =	stream.indirect_vreg.gather @!p0 [hbm4b:s1+s11], $0x80, v2, vm1, $0xb8;
	[tilespmem:$0x10200] =	vst v63  }
0x187: {  	s12 =	simm.s32 @!p0 $0x4A00  }
0x188: {  	[tilespmem:s12], [sflag:$0x3] =	stream.indirect_vreg.gather @!p0 [hbm4b:s6+s11], $0x80, v2, vm1, $0xb8;
	[tilespmem:$0x10200] =	vst v63  }
0x189: {  	s12 =	simm.s32 @!p0 $0x5200  }
0x18a: {  	[tilespmem:s12], [sflag:$0x3] =	stream.indirect_vreg.gather @!p0 [hbm4b:s7+s11], $0x80, v2, vm1, $0xb8;
	[tilespmem:$0x10200] =	vst v63  }
0x18b: {  	s12 =	simm.s32 @!p0 $0x5A00  }
0x18c: {  	[tilespmem:s12], [sflag:$0x3] =	stream.indirect_vreg.gather @!p0 [hbm4b:s8+s11], $0x80, v2, vm1, $0xb8;
	[tilespmem:$0x10200] =	vst v63  }
0x18d: {  	s23 =	simm.s32 $0x0;
	_ =	swait.ge [sflag:s20], $0x2000  }
0x18e: {  	s25 =	sand.u32 $0x1C00, s23;
	s11 =	sand.u32 $0x380, s23;
	[sflag:s20] =	ssyncset.done $0x0  }
0x18f: {  	s21 =	sor.u32 s11, s25;
	[sflag:s20] =	ssyncadd.s32 $0xFFFFE000  }
0x190: {  	v2 =	vld [tilespmem:s21+$0xA270]  }
0x191: {  	v3 =	vld [tilespmem:s21+$0xA200]  }
0x192: {  	v4 =	vld [tilespmem:s21+$0xA210]  }
0x193: {  	v9 =	vld [tilespmem:s21+$0xA250]  }
0x194: {  	v5 =	vld [tilespmem:s21+$0xA220]  }
0x195: {  	s29 =	simm.s32 $0x10;
	s30 =	simm.s32 $0x400;
	v7 =	vld [tilespmem:s21+$0xA230];
	v2 =	vmul.f32 $3.200000000e+01, v2  }
0x196: {  	s12 =	sand.u32 $0x1C00, s30;
	s11 =	sand.u32 $0x380, s29;
	v8 =	vld [tilespmem:s21+$0xA240];
	v3 =	vmul.f32 $3.200000000e+01, v3  }
0x197: {  	s17 =	sor.u32 s11, s12;
	v10 =	vld [tilespmem:s21+$0xA260];
	v4 =	vmul.f32 $3.200000000e+01, v4;
	[tilespmem:s21+$0xA270] =	vst v2  }
0x198: {  	v11 =	vld [tilespmem:s17+$0xA270];
	v9 =	vmul.f32 $3.200000000e+01, v9;
	[tilespmem:s21+$0xA200] =	vst v3  }
0x199: {  	v6 =	vld [tilespmem:s17+$0xA200];
	v2 =	vmul.f32 $3.200000000e+01, v5;
	[tilespmem:s21+$0xA210] =	vst v4  }
0x19a: {  	v3 =	vmul.f32 $3.200000000e+01, v7;
	v5 =	vld [tilespmem:s17+$0xA210];
	[tilespmem:s21+$0xA250] =	vst v9  }
0x19b: {  	v4 =	vmul.f32 $3.200000000e+01, v8;
	[tilespmem:s21+$0xA220] =	vst v2;
	v2 =	vld [tilespmem:s17+$0xA220]  }
0x19c: {  	v8 =	vmul.f32 $3.200000000e+01, v10;
	[tilespmem:s21+$0xA230] =	vst v3;
	v3 =	vld [tilespmem:s17+$0xA230]  }
0x19d: {  	s18 =	simm.s32 $0x20;
	s23 =	simm.s32 $0x800;
	s11 =	simm.s32 $0x80;
	v7 =	vmul.f32 $3.200000000e+01, v11;
	[tilespmem:s21+$0xA240] =	vst v4;
	v4 =	vld [tilespmem:s17+$0xA240]  }
.LBB2_13:
0x19e: {  	s12 =	sand.u32 $0x1C00, s23;
	s25 =	sand.u32 $0x380, s18;
	s11 =	sadd.s32 $0x80, s11;
	v6 =	vmul.f32 $3.200000000e+01, v6;
	v9 =	vld [tilespmem:s17+$0xA250];
	[tilespmem:s21+$0xA260] =	vst v8  }
0x19f: {  	s21 =	smov.u32 s17;
	p0 =	slt.u32 s11, $0x1F80;
	v5 =	vmul.f32 $3.200000000e+01, v5;
	v8 =	vld [tilespmem:s17+$0xA260];
	[tilespmem:s17+$0xA270] =	vst v7;
	s17 =	sor.u32 s25, s12  }
0x1a0: {  	v7 =	vld [tilespmem:s17+$0xA270];
	[tilespmem:s21+$0xA200] =	vst v6;
	v2 =	vmul.f32 $3.200000000e+01, v2  }
.Ltmp5:
0x1a1: {  	v6 =	vld [tilespmem:s17+$0xA200];
	[tilespmem:s21+$0xA210] =	vst v5;
	v3 =	vmul.f32 $3.200000000e+01, v3;
	(pc) =	sbr.rel @p0 .LBB2_13-.Ltmp5, $4  }
0x1a2: {  	v5 =	vld [tilespmem:s17+$0xA210];
	[tilespmem:s21+$0xA220] =	vst v2;
	v4 =	vmul.f32 $3.200000000e+01, v4  }
0x1a3: {  	v2 =	vld [tilespmem:s17+$0xA220];
	[tilespmem:s21+$0xA230] =	vst v3;
	v9 =	vmul.f32 $3.200000000e+01, v9  }
0x1a4: {  	v3 =	vld [tilespmem:s17+$0xA230];
	[tilespmem:s21+$0xA240] =	vst v4;
	v8 =	vmul.f32 $3.200000000e+01, v8  }
0x1a5: {  	s18 =	sadd.s32 $0x10, s18;
	s23 =	sadd.s32 $0x400, s23;
	v4 =	vld [tilespmem:s17+$0xA240];
	v7 =	vmul.f32 $3.200000000e+01, v7;
	[tilespmem:s21+$0xA250] =	vst v9  }
0x1a6: {  	v6 =	vmul.f32 $3.200000000e+01, v6;
	v9 =	vld [tilespmem:s17+$0xA250];
	[tilespmem:s21+$0xA260] =	vst v8  }
0x1a7: {  	v8 =	vld [tilespmem:s17+$0xA260];
	v5 =	vmul.f32 $3.200000000e+01, v5;
	[tilespmem:s17+$0xA270] =	vst v7  }
0x1a8: {  	[tilespmem:s17+$0xA200] =	vst v6;
	v2 =	vmul.f32 $3.200000000e+01, v2  }
0x1a9: {  	[tilespmem:s17+$0xA210] =	vst v5;
	v3 =	vmul.f32 $3.200000000e+01, v3  }
0x1aa: {  	s11 =	sor.u32 $0x5, s10;
	[tilespmem:s17+$0xA220] =	vst v2;
	v2 =	vmul.f32 $3.200000000e+01, v4  }
0x1ab: {  	s12 =	sshll.u32 s11, $0xD;
	[tilespmem:s17+$0xA230] =	vst v3;
	v3 =	vmul.f32 $3.200000000e+01, v9  }
0x1ac: {  	s12 =	sadd.s32 s9, s12;
	[tilespmem:s17+$0xA240] =	vst v2;
	v2 =	vmul.f32 $3.200000000e+01, v8  }
0x1ad: {  	s12 =	sshrl.u32 s12, $0x3;
	[tilespmem:s17+$0xA250] =	vst v3  }
0x1ae: {  	s21 =	simm.s32 $0xA200;
	s12 =	sadd.s32 s3, s12;
	[tilespmem:s17+$0xA260] =	vst v2  }
0x1af: {  	[hbm4b:s12+s4] =	stream.linear.scatter [tilespmem:s21], [sflag:$0xE], $0x2000, $0x38;
	[tilespmem:$0x10200] =	vst v63  }
0x1b0: {  	p0 =	sgt.u32 s11, $0x39;
	_ =	swait.ge [sflag:s22], $0x2000  }
0x1b1: {  	s11 =	sshll.u32 @!p0 s13, $0x6;
	[sflag:s22] =	ssyncset.done $0x0  }
0x1b2: {  	s11 =	sand.u32 @!p0 $0x3FFFFFC0, s11;
	[sflag:s22] =	ssyncadd.s32 $0xFFFFE000  }
0x1b3: {  	v2 =	vld.msk @!p0 [tilespmem:s11+$0x58], $0xff;
	_ =	sdelay $0x4  }
0x1b4: {  	v3 =	vshll.u32 @!p0 v2, $0x3  }
0x1b5: {  	v4 =	vlaneseq.u32 @!p0;
	v2 =	vand.u32 @!p0 $0x7, v2;
	v3 =	vand.u32 @!p0 $0xFFFFFFC0, v3  }
0x1b6: {  	v2 =	vor.u32 @!p0 v2, v3;
	v3 =	vand.u32 @!p0 $0x7, v4;
	v4 =	vshrl.u32 @!p0 v4, $0x3  }
0x1b7: {  	v2 =	vperm.xlane @!p0 v2, v3;
	v3 =	vmul.u32 @!p0 $0x8, v4;
	_ =	sdelay $0x1  }
0x1b8: {  	v2 =	vadd.s32 @!p0 v3, v2;
	_ =	sdelay $0x3  }
0x1b9: {  	vm1 =	vmmov @!p0 $0xffff;
	s12 =	simm.s32 @!p0 $0x6200;
	s11 =	simm.s32 @!p0 $0x0  }
0x1ba: {  	[tilespmem:s12], [sflag:$0x4] =	stream.indirect_vreg.gather @!p0 [hbm4b:s1+s11], $0x80, v2, vm1, $0xb8;
	[tilespmem:$0x10200] =	vst v63  }
0x1bb: {  	s12 =	simm.s32 @!p0 $0x6A00  }
0x1bc: {  	[tilespmem:s12], [sflag:$0x4] =	stream.indirect_vreg.gather @!p0 [hbm4b:s6+s11], $0x80, v2, vm1, $0xb8;
	[tilespmem:$0x10200] =	vst v63  }
0x1bd: {  	s12 =	simm.s32 @!p0 $0x7200  }
0x1be: {  	[tilespmem:s12], [sflag:$0x4] =	stream.indirect_vreg.gather @!p0 [hbm4b:s7+s11], $0x80, v2, vm1, $0xb8;
	[tilespmem:$0x10200] =	vst v63  }
0x1bf: {  	s12 =	simm.s32 @!p0 $0x7A00  }
0x1c0: {  	[tilespmem:s12], [sflag:$0x4] =	stream.indirect_vreg.gather @!p0 [hbm4b:s8+s11], $0x80, v2, vm1, $0xb8;
	[tilespmem:$0x10200] =	vst v63  }
0x1c1: {  	s23 =	simm.s32 $0x0;
	_ =	swait.ge [sflag:s24], $0x2000  }
0x1c2: {  	s25 =	sand.u32 $0x1C00, s23;
	s11 =	sand.u32 $0x380, s23;
	[sflag:s24] =	ssyncset.done $0x0  }
0x1c3: {  	s21 =	sor.u32 s11, s25;
	[sflag:s24] =	ssyncadd.s32 $0xFFFFE000  }
0x1c4: {  	v2 =	vld [tilespmem:s21+$0xC270]  }
0x1c5: {  	v3 =	vld [tilespmem:s21+$0xC200]  }
0x1c6: {  	v4 =	vld [tilespmem:s21+$0xC210]  }
0x1c7: {  	v9 =	vld [tilespmem:s21+$0xC250]  }
0x1c8: {  	v5 =	vld [tilespmem:s21+$0xC220]  }
0x1c9: {  	s29 =	simm.s32 $0x10;
	s30 =	simm.s32 $0x400;
	v7 =	vld [tilespmem:s21+$0xC230];
	v2 =	vmul.f32 $3.200000000e+01, v2  }
0x1ca: {  	s12 =	sand.u32 $0x1C00, s30;
	s11 =	sand.u32 $0x380, s29;
	v8 =	vld [tilespmem:s21+$0xC240];
	v3 =	vmul.f32 $3.200000000e+01, v3  }
0x1cb: {  	s17 =	sor.u32 s11, s12;
	v10 =	vld [tilespmem:s21+$0xC260];
	v4 =	vmul.f32 $3.200000000e+01, v4;
	[tilespmem:s21+$0xC270] =	vst v2  }
0x1cc: {  	v11 =	vld [tilespmem:s17+$0xC270];
	v9 =	vmul.f32 $3.200000000e+01, v9;
	[tilespmem:s21+$0xC200] =	vst v3  }
0x1cd: {  	v6 =	vld [tilespmem:s17+$0xC200];
	v2 =	vmul.f32 $3.200000000e+01, v5;
	[tilespmem:s21+$0xC210] =	vst v4  }
0x1ce: {  	v3 =	vmul.f32 $3.200000000e+01, v7;
	v5 =	vld [tilespmem:s17+$0xC210];
	[tilespmem:s21+$0xC250] =	vst v9  }
0x1cf: {  	v4 =	vmul.f32 $3.200000000e+01, v8;
	[tilespmem:s21+$0xC220] =	vst v2;
	v2 =	vld [tilespmem:s17+$0xC220]  }
0x1d0: {  	v8 =	vmul.f32 $3.200000000e+01, v10;
	[tilespmem:s21+$0xC230] =	vst v3;
	v3 =	vld [tilespmem:s17+$0xC230]  }
0x1d1: {  	s18 =	simm.s32 $0x20;
	s23 =	simm.s32 $0x800;
	s11 =	simm.s32 $0x80;
	v7 =	vmul.f32 $3.200000000e+01, v11;
	[tilespmem:s21+$0xC240] =	vst v4;
	v4 =	vld [tilespmem:s17+$0xC240]  }
.LBB2_15:
0x1d2: {  	s12 =	sand.u32 $0x1C00, s23;
	s25 =	sand.u32 $0x380, s18;
	s11 =	sadd.s32 $0x80, s11;
	v6 =	vmul.f32 $3.200000000e+01, v6;
	v9 =	vld [tilespmem:s17+$0xC250];
	[tilespmem:s21+$0xC260] =	vst v8  }
0x1d3: {  	s21 =	smov.u32 s17;
	p0 =	slt.u32 s11, $0x1F80;
	v5 =	vmul.f32 $3.200000000e+01, v5;
	v8 =	vld [tilespmem:s17+$0xC260];
	[tilespmem:s17+$0xC270] =	vst v7;
	s17 =	sor.u32 s25, s12  }
0x1d4: {  	v7 =	vld [tilespmem:s17+$0xC270];
	[tilespmem:s21+$0xC200] =	vst v6;
	v2 =	vmul.f32 $3.200000000e+01, v2  }
.Ltmp6:
0x1d5: {  	v6 =	vld [tilespmem:s17+$0xC200];
	[tilespmem:s21+$0xC210] =	vst v5;
	v3 =	vmul.f32 $3.200000000e+01, v3;
	(pc) =	sbr.rel @p0 .LBB2_15-.Ltmp6, $4  }
0x1d6: {  	v5 =	vld [tilespmem:s17+$0xC210];
	[tilespmem:s21+$0xC220] =	vst v2;
	v4 =	vmul.f32 $3.200000000e+01, v4  }
0x1d7: {  	v2 =	vld [tilespmem:s17+$0xC220];
	[tilespmem:s21+$0xC230] =	vst v3;
	v9 =	vmul.f32 $3.200000000e+01, v9  }
0x1d8: {  	v3 =	vld [tilespmem:s17+$0xC230];
	[tilespmem:s21+$0xC240] =	vst v4;
	v8 =	vmul.f32 $3.200000000e+01, v8  }
0x1d9: {  	s18 =	sadd.s32 $0x10, s18;
	s23 =	sadd.s32 $0x400, s23;
	v4 =	vld [tilespmem:s17+$0xC240];
	v7 =	vmul.f32 $3.200000000e+01, v7;
	[tilespmem:s21+$0xC250] =	vst v9  }
0x1da: {  	v6 =	vmul.f32 $3.200000000e+01, v6;
	v9 =	vld [tilespmem:s17+$0xC250];
	[tilespmem:s21+$0xC260] =	vst v8  }
0x1db: {  	v8 =	vld [tilespmem:s17+$0xC260];
	v5 =	vmul.f32 $3.200000000e+01, v5;
	[tilespmem:s17+$0xC270] =	vst v7  }
0x1dc: {  	[tilespmem:s17+$0xC200] =	vst v6;
	v2 =	vmul.f32 $3.200000000e+01, v2  }
0x1dd: {  	[tilespmem:s17+$0xC210] =	vst v5;
	v3 =	vmul.f32 $3.200000000e+01, v3  }
0x1de: {  	s11 =	sor.u32 $0x6, s10;
	[tilespmem:s17+$0xC220] =	vst v2;
	v2 =	vmul.f32 $3.200000000e+01, v4  }
0x1df: {  	s12 =	sshll.u32 s11, $0xD;
	[tilespmem:s17+$0xC230] =	vst v3;
	v3 =	vmul.f32 $3.200000000e+01, v9  }
0x1e0: {  	s12 =	sadd.s32 s9, s12;
	[tilespmem:s17+$0xC240] =	vst v2;
	v2 =	vmul.f32 $3.200000000e+01, v8  }
0x1e1: {  	s12 =	sshrl.u32 s12, $0x3;
	[tilespmem:s17+$0xC250] =	vst v3  }
0x1e2: {  	s21 =	simm.s32 $0xC200;
	s12 =	sadd.s32 s3, s12;
	[tilespmem:s17+$0xC260] =	vst v2  }
0x1e3: {  	[hbm4b:s12+s4] =	stream.linear.scatter [tilespmem:s21], [sflag:$0xF], $0x2000, $0x38;
	[tilespmem:$0x10200] =	vst v63  }
0x1e4: {  	p0 =	sgt.u32 s11, $0x39;
	_ =	swait.ge [sflag:s26], $0x2000  }
0x1e5: {  	s11 =	sshll.u32 @!p0 s13, $0x6;
	[sflag:s26] =	ssyncset.done $0x0  }
0x1e6: {  	s11 =	sand.u32 @!p0 $0x3FFFFFC0, s11;
	[sflag:s26] =	ssyncadd.s32 $0xFFFFE000  }
0x1e7: {  	v2 =	vld.msk @!p0 [tilespmem:s11+$0x60], $0xff;
	_ =	sdelay $0x4  }
0x1e8: {  	v3 =	vshll.u32 @!p0 v2, $0x3  }
0x1e9: {  	v4 =	vlaneseq.u32 @!p0;
	v2 =	vand.u32 @!p0 $0x7, v2;
	v3 =	vand.u32 @!p0 $0xFFFFFFC0, v3  }
0x1ea: {  	v2 =	vor.u32 @!p0 v2, v3;
	v3 =	vand.u32 @!p0 $0x7, v4;
	v4 =	vshrl.u32 @!p0 v4, $0x3  }
0x1eb: {  	v2 =	vperm.xlane @!p0 v2, v3;
	v3 =	vmul.u32 @!p0 $0x8, v4;
	_ =	sdelay $0x1  }
0x1ec: {  	v2 =	vadd.s32 @!p0 v3, v2;
	_ =	sdelay $0x3  }
0x1ed: {  	vm1 =	vmmov @!p0 $0xffff;
	s12 =	simm.s32 @!p0 $0x8200;
	s11 =	simm.s32 @!p0 $0x0  }
0x1ee: {  	[tilespmem:s12], [sflag:$0x5] =	stream.indirect_vreg.gather @!p0 [hbm4b:s1+s11], $0x80, v2, vm1, $0xb8;
	[tilespmem:$0x10200] =	vst v63  }
0x1ef: {  	s12 =	simm.s32 @!p0 $0x8A00  }
0x1f0: {  	[tilespmem:s12], [sflag:$0x5] =	stream.indirect_vreg.gather @!p0 [hbm4b:s6+s11], $0x80, v2, vm1, $0xb8;
	[tilespmem:$0x10200] =	vst v63  }
0x1f1: {  	s12 =	simm.s32 @!p0 $0x9200  }
0x1f2: {  	[tilespmem:s12], [sflag:$0x5] =	stream.indirect_vreg.gather @!p0 [hbm4b:s7+s11], $0x80, v2, vm1, $0xb8;
	[tilespmem:$0x10200] =	vst v63  }
0x1f3: {  	s12 =	simm.s32 @!p0 $0x9A00  }
0x1f4: {  	[tilespmem:s12], [sflag:$0x5] =	stream.indirect_vreg.gather @!p0 [hbm4b:s8+s11], $0x80, v2, vm1, $0xb8;
	[tilespmem:$0x10200] =	vst v63  }
0x1f5: {  	s23 =	simm.s32 $0x0;
	_ =	swait.ge [sflag:s28], $0x2000  }
0x1f6: {  	s25 =	sand.u32 $0x1C00, s23;
	s11 =	sand.u32 $0x380, s23;
	[sflag:s28] =	ssyncset.done $0x0  }
0x1f7: {  	s21 =	sor.u32 s11, s25;
	[sflag:s28] =	ssyncadd.s32 $0xFFFFE000  }
0x1f8: {  	v2 =	vld [tilespmem:s21+$0xE270]  }
0x1f9: {  	v3 =	vld [tilespmem:s21+$0xE200]  }
0x1fa: {  	v4 =	vld [tilespmem:s21+$0xE210]  }
0x1fb: {  	v9 =	vld [tilespmem:s21+$0xE250]  }
0x1fc: {  	v5 =	vld [tilespmem:s21+$0xE220]  }
0x1fd: {  	s29 =	simm.s32 $0x10;
	s30 =	simm.s32 $0x400;
	v7 =	vld [tilespmem:s21+$0xE230];
	v2 =	vmul.f32 $3.200000000e+01, v2  }
0x1fe: {  	s12 =	sand.u32 $0x1C00, s30;
	s11 =	sand.u32 $0x380, s29;
	v8 =	vld [tilespmem:s21+$0xE240];
	v3 =	vmul.f32 $3.200000000e+01, v3  }
0x1ff: {  	s17 =	sor.u32 s11, s12;
	v10 =	vld [tilespmem:s21+$0xE260];
	v4 =	vmul.f32 $3.200000000e+01, v4;
	[tilespmem:s21+$0xE270] =	vst v2  }
0x200: {  	v11 =	vld [tilespmem:s17+$0xE270];
	v9 =	vmul.f32 $3.200000000e+01, v9;
	[tilespmem:s21+$0xE200] =	vst v3  }
0x201: {  	v6 =	vld [tilespmem:s17+$0xE200];
	v2 =	vmul.f32 $3.200000000e+01, v5;
	[tilespmem:s21+$0xE210] =	vst v4  }
0x202: {  	v3 =	vmul.f32 $3.200000000e+01, v7;
	v5 =	vld [tilespmem:s17+$0xE210];
	[tilespmem:s21+$0xE250] =	vst v9  }
0x203: {  	v4 =	vmul.f32 $3.200000000e+01, v8;
	[tilespmem:s21+$0xE220] =	vst v2;
	v2 =	vld [tilespmem:s17+$0xE220]  }
0x204: {  	v8 =	vmul.f32 $3.200000000e+01, v10;
	[tilespmem:s21+$0xE230] =	vst v3;
	v3 =	vld [tilespmem:s17+$0xE230]  }
0x205: {  	s18 =	simm.s32 $0x20;
	s23 =	simm.s32 $0x800;
	s11 =	simm.s32 $0x80;
	v7 =	vmul.f32 $3.200000000e+01, v11;
	[tilespmem:s21+$0xE240] =	vst v4;
	v4 =	vld [tilespmem:s17+$0xE240]  }
.LBB2_17:
0x206: {  	s12 =	sand.u32 $0x1C00, s23;
	s25 =	sand.u32 $0x380, s18;
	s11 =	sadd.s32 $0x80, s11;
	v6 =	vmul.f32 $3.200000000e+01, v6;
	v9 =	vld [tilespmem:s17+$0xE250];
	[tilespmem:s21+$0xE260] =	vst v8  }
0x207: {  	s21 =	smov.u32 s17;
	p0 =	slt.u32 s11, $0x1F80;
	v5 =	vmul.f32 $3.200000000e+01, v5;
	v8 =	vld [tilespmem:s17+$0xE260];
	[tilespmem:s17+$0xE270] =	vst v7;
	s17 =	sor.u32 s25, s12  }
0x208: {  	v7 =	vld [tilespmem:s17+$0xE270];
	[tilespmem:s21+$0xE200] =	vst v6;
	v2 =	vmul.f32 $3.200000000e+01, v2  }
.Ltmp7:
0x209: {  	v6 =	vld [tilespmem:s17+$0xE200];
	[tilespmem:s21+$0xE210] =	vst v5;
	v3 =	vmul.f32 $3.200000000e+01, v3;
	(pc) =	sbr.rel @p0 .LBB2_17-.Ltmp7, $4  }
0x20a: {  	v5 =	vld [tilespmem:s17+$0xE210];
	[tilespmem:s21+$0xE220] =	vst v2;
	v4 =	vmul.f32 $3.200000000e+01, v4  }
0x20b: {  	v2 =	vld [tilespmem:s17+$0xE220];
	[tilespmem:s21+$0xE230] =	vst v3;
	v9 =	vmul.f32 $3.200000000e+01, v9  }
0x20c: {  	v3 =	vld [tilespmem:s17+$0xE230];
	[tilespmem:s21+$0xE240] =	vst v4;
	v8 =	vmul.f32 $3.200000000e+01, v8  }
0x20d: {  	s18 =	sadd.s32 $0x10, s18;
	s23 =	sadd.s32 $0x400, s23;
	v4 =	vld [tilespmem:s17+$0xE240];
	v7 =	vmul.f32 $3.200000000e+01, v7;
	[tilespmem:s21+$0xE250] =	vst v9  }
0x20e: {  	v6 =	vmul.f32 $3.200000000e+01, v6;
	v9 =	vld [tilespmem:s17+$0xE250];
	[tilespmem:s21+$0xE260] =	vst v8  }
0x20f: {  	v63 =	vld [tilespmem:s17+$0xE260];
	v5 =	vmul.f32 $3.200000000e+01, v5;
	[tilespmem:s17+$0xE270] =	vst v7  }
0x210: {  	[tilespmem:s17+$0xE200] =	vst v6;
	v2 =	vmul.f32 $3.200000000e+01, v2  }
0x211: {  	[tilespmem:s17+$0xE210] =	vst v5;
	v3 =	vmul.f32 $3.200000000e+01, v3  }
0x212: {  	s10 =	sor.u32 $0x7, s10;
	[tilespmem:s17+$0xE220] =	vst v2;
	v2 =	vmul.f32 $3.200000000e+01, v4  }
0x213: {  	s11 =	sshll.u32 s10, $0xD;
	[tilespmem:s17+$0xE230] =	vst v3;
	v3 =	vmul.f32 $3.200000000e+01, v9  }
0x214: {  	s11 =	sadd.s32 s9, s11;
	[tilespmem:s17+$0xE240] =	vst v2;
	v2 =	vmul.f32 $3.200000000e+01, v63  }
0x215: {  	s11 =	sshrl.u32 s11, $0x3;
	[tilespmem:s17+$0xE250] =	vst v3  }
0x216: {  	s12 =	simm.s32 $0xE200;
	s11 =	sadd.s32 s3, s11;
	[tilespmem:s17+$0xE260] =	vst v2  }
0x217: {  	[hbm4b:s11+s4] =	stream.linear.scatter [tilespmem:s12], [sflag:$0x10], $0x2000, $0x38;
	[tilespmem:$0x10200] =	vst v63  }
0x218: {  	p0 =	sgt.u32 s10, $0x39;
	_ =	swait.ge [sflag:s5], $0x2000  }
0x219: {  	s10 =	sshll.u32 @!p0 s13, $0x6;
	[sflag:s5] =	ssyncset.done $0x0  }
0x21a: {  	s10 =	sand.u32 @!p0 $0x3FFFFFC0, s10;
	[sflag:s5] =	ssyncadd.s32 $0xFFFFE000  }
0x21b: {  	v2 =	vld.msk @!p0 [tilespmem:s10+$0x68], $0xff;
	_ =	sdelay $0x4  }
0x21c: {  	v3 =	vshll.u32 @!p0 v2, $0x3  }
0x21d: {  	v4 =	vlaneseq.u32 @!p0;
	v2 =	vand.u32 @!p0 $0x7, v2;
	v3 =	vand.u32 @!p0 $0xFFFFFFC0, v3  }
0x21e: {  	v2 =	vor.u32 @!p0 v2, v3;
	v3 =	vand.u32 @!p0 $0x7, v4;
	v4 =	vshrl.u32 @!p0 v4, $0x3  }
0x21f: {  	v2 =	vperm.xlane @!p0 v2, v3;
	v3 =	vmul.u32 @!p0 $0x8, v4;
	_ =	sdelay $0x1  }
0x220: {  	v2 =	vadd.s32 @!p0 v3, v2;
	_ =	sdelay $0x3  }
0x221: {  	vm1 =	vmmov @!p0 $0xffff;
	s11 =	simm.s32 @!p0 $0xA200;
	s10 =	simm.s32 @!p0 $0x0  }
0x222: {  	[tilespmem:s11], [sflag:$0x6] =	stream.indirect_vreg.gather @!p0 [hbm4b:s1+s10], $0x80, v2, vm1, $0xb8;
	[tilespmem:$0x10200] =	vst v63  }
0x223: {  	s11 =	simm.s32 @!p0 $0xAA00  }
0x224: {  	[tilespmem:s11], [sflag:$0x6] =	stream.indirect_vreg.gather @!p0 [hbm4b:s6+s10], $0x80, v2, vm1, $0xb8;
	[tilespmem:$0x10200] =	vst v63  }
0x225: {  	s11 =	simm.s32 @!p0 $0xB200  }
0x226: {  	[tilespmem:s11], [sflag:$0x6] =	stream.indirect_vreg.gather @!p0 [hbm4b:s7+s10], $0x80, v2, vm1, $0xb8;
	[tilespmem:$0x10200] =	vst v63  }
0x227: {  	s13 =	sadd.s32 $0x1, s13;
	s11 =	simm.s32 @!p0 $0xBA00  }
0x228: {  	[tilespmem:s11], [sflag:$0x6] =	stream.indirect_vreg.gather @!p0 [hbm4b:s8+s10], $0x80, v2, vm1, $0xb8;
	[tilespmem:$0x10200] =	vst v63  }
0x229: {  	p0 =	sne.s32 s13, $0x8  }
.Ltmp8:
0x22a: {  	_ = 	snop;
	(pc) =	sbr.rel @p0 .LBB2_2-.Ltmp8, $1  }
0x22b: {  	_ =	sdelay $0x3  }
0x22c: {  	s10 =	simm.s32 $0xF  }
0x22d: {  	_ =	swait.ge [sflag:s10], $0x2000  }
0x22e: {  	[sflag:s10] =	ssyncset.done $0x0  }
0x22f: {  	s11 =	simm.s32 $0x10;
	[sflag:s10] =	ssyncadd.s32 $0xFFFFE000  }
0x230: {  	_ =	swait.ge [sflag:s11], $0x2000  }
0x231: {  	s12 =	rddreg [dreg:$0x6]  }
0x232: {  	s30 =	rddreg [dreg:$0x5];
	s12 =	sadd.s32 $0x1, s12  }
0x233: {  	p0 =	sne.s32 s12, s30  }
.Ltmp9:
0x234: {  	_ = 	snop;
	(pc) =	sbr.rel @p0 .LBB2_1-.Ltmp9, $3  }
0x235: {  	_ =	sdelay $0x1  }
0x236: {  	[sflag:s11] =	ssyncset.done $0x0  }
0x237: {  	[sflag:s11] =	ssyncadd.s32 $0xFFFFE000  }
0x238: {  	_ =	sfence.sel $0x180000  }
0x239: {  	[bflag:$0x0] =	sbarrier.arrive $0xFFFF  }
0x23a: {  	_ =	strace $0x90000047  }
0x23b: {  	s0 =	stileid.u32;
	[bflag:$0x2] =	sbarrier.arrive $0xFFFF  }
0x23c: {  	p0 =	sne.s32 s0, $0x0;
	s0 =	rddreg [dreg:$0x3]  }
0x23d: {  	s0 =	sadd.s32 @!p0 $0x100000, s0  }
0x23e: {  	[sflag:s0] =	ssyncadd.tile.s32 @!p0 $0x1;
	_ =	shalt  }
.Lfunc_end2:
_tile_overlayer_lowered:
.L_overlay_start_2:
0x23f: {  	(tag) =	ssettag $0x2  }
0x240: {  	s0 =	rddreg [dreg:$0x0];
	s2 =	stileid.u32  }
0x241: {  	s1 =	rddreg [dreg:$0x1];
	p0 =	sne.s32 s2, $0x0  }
0x242: {  	s3 =	rddreg [dreg:$0x2];
	[bflag:$0x3] =	sbarrier.arrive $0xFFFF;
	s2 =	simm.s32 @!p0 $0x1C11  }
0x243: {  	[timem:s3], [sflag:s2] =	dma.local @!p0 [hbm:s0], s1  }
0x244: {  	s0 =	simm.s32 @!p0 $0x11  }
0x245: {  	_ =	swait.ge @!p0 [sflag:s0], s1  }
0x246: {  	s1 =	ssub.s32 @!p0 $0x0, s1;
	[sflag:s0] =	ssyncset.done @!p0 $0x0  }
0x247: {  	[sflag:s0] =	ssyncadd.s32 @!p0 s1  }
0x248: {  	[bflag:$0x3] =	sbarrier.arrive $0xFFFF  }
0x249: {  	_ =	shalt  }

</sc_bundles>
